<compile_context>
chip_gen: v7x
topology: tpu7x:2x2x1
jax: 0.10.2.dev20260603
libtpu: 0.0.44.dev20260713+nightly
codegen_flags: <defaults>
</compile_context>

<pallas_src>
import functools

import jax
import jax.numpy as jnp
from jax import lax
from jax.experimental import pallas as pl
from jax.experimental.pallas import tpu as pltpu
from jax.experimental.pallas import tpu_sc as plsc

B = 16384
D = 64
NC = 2
NS = 16
L = 16
NW = NC * NS
BPW = B // NW
TW = 128
NSLOT = 6
GCH = 128
NG = BPW // GCH


@functools.partial(
    pl.kernel,
    out_type=jax.ShapeDtypeStruct((B, TW), jnp.float32),
    mesh=plsc.VectorSubcoreMesh(core_axis_name="c", subcore_axis_name="s",
                                num_cores=NC, num_subcores=NS),
    scratch_types=[
        pltpu.VMEM((BPW + L,), jnp.int32),
        pltpu.VMEM((BPW + L,), jnp.int32),
        pltpu.VMEM((BPW + L,), jnp.int32),
        pltpu.VMEM((BPW + L,), jnp.int32),
        pltpu.VMEM((NG, GCH), jnp.int32),
        pltpu.VMEM((NG, GCH), jnp.int32),
        pltpu.VMEM((NSLOT, D, TW), jnp.float32),
        pltpu.VMEM((BPW, TW), jnp.float32),
        pltpu.SemaphoreType.DMA,
        pltpu.SemaphoreType.DMA,
    ],
    compiler_params=pltpu.CompilerParams(needs_layout_passes=False),
)
def _emb_mul(blk_hbm, lane_hbm, ns_hbm, hl_hbm, ord2_hbm, ordr_hbm, lat_hbm,
             tab_hbm, out_hbm,
             blk_v, lane_v, ns_v, hl_v, ord2_v, ordr_v, ring_v, lat_v,
             gsem, lsem):
    wid = lax.axis_index("s") * NC + lax.axis_index("c")
    base = wid * BPW

    pltpu.sync_copy(blk_hbm.at[pl.ds(base, BPW)], blk_v.at[pl.ds(0, BPW)])
    pltpu.sync_copy(lane_hbm.at[pl.ds(base, BPW)], lane_v.at[pl.ds(0, BPW)])
    pltpu.sync_copy(ns_hbm.at[pl.ds(base, BPW)], ns_v.at[pl.ds(0, BPW)])
    pltpu.sync_copy(hl_hbm.at[pl.ds(base, BPW)], hl_v.at[pl.ds(0, BPW)])
    pltpu.sync_copy(ord2_hbm.at[wid], ord2_v)
    pltpu.sync_copy(ordr_hbm.at[wid], ordr_v)
    lat_cps = [
        pltpu.async_copy(lat_hbm.at[ord2_v.at[g]],
                         lat_v.at[pl.ds(g * GCH, GCH)], lsem)
        for g in range(NG)
    ]

    lanes = lax.iota(jnp.int32, L)

    def rd(ref, lidx):
        c = jnp.clip(lidx, 0, BPW - 1)
        return ref[pl.ds(c, L)][0]

    def fire(qg, slot):
        ql = qg - base
        blk = rd(blk_v, ql)

        @pl.when(jnp.logical_and(ql >= 0, ql < BPW))
        def _():
            pltpu.async_copy(
                tab_hbm.at[:, pl.ds(pl.multiple_of(blk * TW, TW), TW)],
                ring_v.at[slot], gsem)

    def chase(qg):
        nxt = rd(ns_v, qg - base)
        return jnp.where(qg - base < BPW, nxt, jnp.int32(B))

    q = jnp.int32(base)
    for f0 in range(NSLOT):
        fire(q, f0)
        q = chase(q)
    for cp in lat_cps:
        cp.wait()

    def outer_cond(c):
        return c[0] < BPW

    def outer(c):
        p, f, q = c
        slot = lax.rem(f, NSLOT)
        pltpu.make_async_copy(tab_hbm.at[:, pl.ds(0, TW)], ring_v.at[slot],
                              gsem).wait()
        ssp = jnp.full((L,), slot, jnp.int32)
        run_end = jnp.minimum(rd(ns_v, p) - base, BPW)

        def consume(p2, carry):
            lsp = jnp.full((L,), rd(lane_v, p2), jnp.int32)
            psp = jnp.full((L,), p2, jnp.int32)
            ho = jnp.full((L,), rd(hl_v, p2), jnp.int32)
            for j in range(D // L):
                col = j * L + lanes
                v = plsc.load_gather(ring_v, [ssp, col, lsp])
                lv = plsc.load_gather(lat_v, [psp, ho + col])
                lat_v[p2, pl.ds(j * L, L)] = v * lv
            return carry

        lax.fori_loop(p, run_end, consume, 0)
        fire(q, slot)
        return (run_end, f + 1, chase(q))

    lax.while_loop(outer_cond, outer, (jnp.int32(0), jnp.int32(0), q))

    scat = [
        pltpu.async_copy(lat_v.at[pl.ds(g * GCH, GCH)],
                         out_hbm.at[ordr_v.at[g]], lsem)
        for g in range(NG)
    ]
    for cp in scat:
        cp.wait()


def kernel(label, latent, emb_table):
    lab = label.astype(jnp.int32)
    iot = lax.iota(jnp.int32, B)
    sl, order = lax.sort_key_val(lab, iot)
    blk = sl >> 7
    lane_s = sl & (TW - 1)
    newb = jnp.concatenate([jnp.ones((1,), jnp.bool_), blk[1:] != blk[:-1]])
    start_idx = jnp.where(newb, iot, B)
    ns_incl = jnp.flip(lax.cummin(jnp.flip(start_idx)))
    ns = jnp.concatenate([ns_incl[1:], jnp.full((1,), B, jnp.int32)])
    latp = latent.reshape(B // 2, TW)
    hl = (order & 1) * D
    ord2 = (order >> 1).reshape(NW, NG, GCH)
    ordr = order.reshape(NW, NG, GCH)
    out3 = _emb_mul(blk, lane_s, ns, hl, ord2, ordr, latp, emb_table.T)
    return out3[:, :D]

# --- scband reference (transcript-rebuilt; emitter-appended) ---
"""Pipeline reference for scband-embedding-labeled-latent-64785286693693 (READ-ONLY COPY).

The authoritative reference and input builder live on the scoring server;
editing this copy changes nothing except your own understanding.
"""

import jax, jax.numpy as jnp
import numpy as np

NUM_CLASS = 1000000
LATENT_DIM = 64
BATCH = 16384


def setup_inputs(seed: int = 0) -> dict:
    key = jax.random.key(seed)
    k1, k2, k3 = jax.random.split(key, 3)
    label = jax.random.randint(k1, (BATCH,), 0, NUM_CLASS, dtype=jnp.int64 if jax.config.jax_enable_x64 else jnp.int32)
    latent = jax.random.normal(k2, (BATCH, LATENT_DIM), dtype=jnp.float32)
    # learned embedding table (nn.Embedding weight), default init N(0,1)
    emb_table = jax.random.normal(k3, (NUM_CLASS, LATENT_DIM), dtype=jnp.float32)
    return {"label": label, "latent": latent, "emb_table": emb_table}


def reference(label, latent, emb_table):
    # embedding = self.embeding(label)
    embedding = jnp.take(emb_table, label, axis=0)
    # torch.flatten(embedding, 1) on a [B, D] tensor is the identity
    embedding = embedding.reshape(embedding.shape[0], -1)
    # torch.multiply(latent, embedding)
    return jnp.multiply(latent, embedding)

if __name__ == "__main__":
    import jax
    _d = setup_inputs()
    print(jax.jit(kernel)(*tuple(_d.values())))

</pallas_src>

<mosaic_0001>
#map = affine_map<(d0, d1) -> (0)>
#map1 = affine_map<(d0, d1) -> (0, 0, 0)>
#map2 = affine_map<(d0, d1) -> (0, 0)>
module attributes {stable_mosaic.version = 14 : i64} {
  func.func @_emb_mul(%arg0: i32, %arg1: i32, %arg2: memref<16384xi32, #tpu.memory_space<hbm>>, %arg3: memref<16384xi32, #tpu.memory_space<hbm>>, %arg4: memref<16384xi32, #tpu.memory_space<hbm>>, %arg5: memref<16384xi32, #tpu.memory_space<hbm>>, %arg6: memref<32x4x128xi32, #tpu.memory_space<hbm>>, %arg7: memref<32x4x128xi32, #tpu.memory_space<hbm>>, %arg8: memref<8192x128xf32, #tpu.memory_space<hbm>>, %arg9: memref<64x1000000xf32, #tpu.memory_space<hbm>>, %arg10: memref<16384x128xf32, #tpu.memory_space<hbm>>, %arg11: memref<528xi32, #tpu.memory_space<vmem>>, %arg12: memref<528xi32, #tpu.memory_space<vmem>>, %arg13: memref<528xi32, #tpu.memory_space<vmem>>, %arg14: memref<528xi32, #tpu.memory_space<vmem>>, %arg15: memref<4x128xi32, #tpu.memory_space<vmem>>, %arg16: memref<4x128xi32, #tpu.memory_space<vmem>>, %arg17: memref<6x64x128xf32, #tpu.memory_space<vmem>>, %arg18: memref<512x128xf32, #tpu.memory_space<vmem>>, %arg19: memref<!tpu.dma_semaphore, #tpu.memory_space<semaphore_mem>>, %arg20: memref<!tpu.dma_semaphore, #tpu.memory_space<semaphore_mem>>) attributes {dimension_semantics = [#tpu.dimension_semantics<core_parallel>, #tpu.dimension_semantics<subcore_parallel>], iteration_bounds = array<i64: 2, 16>, scalar_prefetch = 0 : i64, scratch_operands = 10 : i64, tpu.core_type = #tpu.core_type<sc_vector_subcore>, window_params = [{transform_indices = #map}, {transform_indices = #map}, {transform_indices = #map}, {transform_indices = #map}, {transform_indices = #map1}, {transform_indices = #map1}, {transform_indices = #map2}, {transform_indices = #map2}, {transform_indices = #map2}]} {
    %mul3A = arith.constant 2 : i32
    %mul3A_0 = arith.muli %arg1, %mul3A : i32
    %add3A = arith.addi %mul3A_0, %arg0 : i32
    %mul3A_1 = arith.constant 512 : i32
    %mul3A_2 = arith.muli %add3A, %mul3A_1 : i32
    "tpu.region"() ({
      %run_scoped3A = tpu.sem_alloc : memref<!tpu.dma_semaphore, #tpu.memory_space<semaphore_mem>>
      %dma_start3A_336 = arith.constant 0 : i32
      %dma_start3A_337 = tpu.memref_slice %arg11[%dma_start3A_336] : memref<528xi32, #tpu.memory_space<vmem>> -> memref<512xi32, #tpu.memory_space<vmem>>
      %dma_start3A_338 = tpu.memref_slice %arg2[%mul3A_2] : memref<16384xi32, #tpu.memory_space<hbm>> -> memref<512xi32, #tpu.memory_space<hbm>>
      %dma_start3A_339 = arith.constant 0 : i32
      %dma_start3A_340 = tpu.memref_slice %arg11[%dma_start3A_339] : memref<528xi32, #tpu.memory_space<vmem>> -> memref<512xi32, #tpu.memory_space<vmem>>
      %dma_start3A_341 = tpu.memref_slice %arg2[%mul3A_2] : memref<16384xi32, #tpu.memory_space<hbm>> -> memref<512xi32, #tpu.memory_space<hbm>>
      tpu.enqueue_dma source(%dma_start3A_341 : memref<512xi32, #tpu.memory_space<hbm>>) target(%dma_start3A_340 : memref<512xi32, #tpu.memory_space<vmem>>) target_semaphore(%run_scoped3A : memref<!tpu.dma_semaphore, #tpu.memory_space<semaphore_mem>>)
      %dma_wait3A_342 = arith.constant 0 : i32
      %dma_wait3A_343 = tpu.memref_slice %arg11[%dma_wait3A_342] : memref<528xi32, #tpu.memory_space<vmem>> -> memref<512xi32, #tpu.memory_space<vmem>>
      %dma_wait3A_344 = tpu.memref_slice %arg2[%mul3A_2] : memref<16384xi32, #tpu.memory_space<hbm>> -> memref<512xi32, #tpu.memory_space<hbm>>
      %dma_wait3A_345 = arith.constant 0 : i32
      %dma_wait3A_346 = tpu.memref_slice %arg11[%dma_wait3A_345] : memref<528xi32, #tpu.memory_space<vmem>> -> memref<512xi32, #tpu.memory_space<vmem>>
      %dma_wait3A_347 = tpu.memref_slice %arg2[%mul3A_2] : memref<16384xi32, #tpu.memory_space<hbm>> -> memref<512xi32, #tpu.memory_space<hbm>>
      tpu.wait_dma2 semaphore(%run_scoped3A : memref<!tpu.dma_semaphore, #tpu.memory_space<semaphore_mem>>) src(%dma_wait3A_347 : memref<512xi32, #tpu.memory_space<hbm>>) dst(%dma_wait3A_346 : memref<512xi32, #tpu.memory_space<vmem>>)
      tpu.yield
    }) : () -> ()
    "tpu.region"() ({
      %run_scoped3A = tpu.sem_alloc : memref<!tpu.dma_semaphore, #tpu.memory_space<semaphore_mem>>
      %dma_start3A_336 = arith.constant 0 : i32
      %dma_start3A_337 = tpu.memref_slice %arg12[%dma_start3A_336] : memref<528xi32, #tpu.memory_space<vmem>> -> memref<512xi32, #tpu.memory_space<vmem>>
      %dma_start3A_338 = tpu.memref_slice %arg3[%mul3A_2] : memref<16384xi32, #tpu.memory_space<hbm>> -> memref<512xi32, #tpu.memory_space<hbm>>
      %dma_start3A_339 = arith.constant 0 : i32
      %dma_start3A_340 = tpu.memref_slice %arg12[%dma_start3A_339] : memref<528xi32, #tpu.memory_space<vmem>> -> memref<512xi32, #tpu.memory_space<vmem>>
      %dma_start3A_341 = tpu.memref_slice %arg3[%mul3A_2] : memref<16384xi32, #tpu.memory_space<hbm>> -> memref<512xi32, #tpu.memory_space<hbm>>
      tpu.enqueue_dma source(%dma_start3A_341 : memref<512xi32, #tpu.memory_space<hbm>>) target(%dma_start3A_340 : memref<512xi32, #tpu.memory_space<vmem>>) target_semaphore(%run_scoped3A : memref<!tpu.dma_semaphore, #tpu.memory_space<semaphore_mem>>)
      %dma_wait3A_342 = arith.constant 0 : i32
      %dma_wait3A_343 = tpu.memref_slice %arg12[%dma_wait3A_342] : memref<528xi32, #tpu.memory_space<vmem>> -> memref<512xi32, #tpu.memory_space<vmem>>
      %dma_wait3A_344 = tpu.memref_slice %arg3[%mul3A_2] : memref<16384xi32, #tpu.memory_space<hbm>> -> memref<512xi32, #tpu.memory_space<hbm>>
      %dma_wait3A_345 = arith.constant 0 : i32
      %dma_wait3A_346 = tpu.memref_slice %arg12[%dma_wait3A_345] : memref<528xi32, #tpu.memory_space<vmem>> -> memref<512xi32, #tpu.memory_space<vmem>>
      %dma_wait3A_347 = tpu.memref_slice %arg3[%mul3A_2] : memref<16384xi32, #tpu.memory_space<hbm>> -> memref<512xi32, #tpu.memory_space<hbm>>
      tpu.wait_dma2 semaphore(%run_scoped3A : memref<!tpu.dma_semaphore, #tpu.memory_space<semaphore_mem>>) src(%dma_wait3A_347 : memref<512xi32, #tpu.memory_space<hbm>>) dst(%dma_wait3A_346 : memref<512xi32, #tpu.memory_space<vmem>>)
      tpu.yield
    }) : () -> ()
    "tpu.region"() ({
      %run_scoped3A = tpu.sem_alloc : memref<!tpu.dma_semaphore, #tpu.memory_space<semaphore_mem>>
      %dma_start3A_336 = arith.constant 0 : i32
      %dma_start3A_337 = tpu.memref_slice %arg13[%dma_start3A_336] : memref<528xi32, #tpu.memory_space<vmem>> -> memref<512xi32, #tpu.memory_space<vmem>>
      %dma_start3A_338 = tpu.memref_slice %arg4[%mul3A_2] : memref<16384xi32, #tpu.memory_space<hbm>> -> memref<512xi32, #tpu.memory_space<hbm>>
      %dma_start3A_339 = arith.constant 0 : i32
      %dma_start3A_340 = tpu.memref_slice %arg13[%dma_start3A_339] : memref<528xi32, #tpu.memory_space<vmem>> -> memref<512xi32, #tpu.memory_space<vmem>>
      %dma_start3A_341 = tpu.memref_slice %arg4[%mul3A_2] : memref<16384xi32, #tpu.memory_space<hbm>> -> memref<512xi32, #tpu.memory_space<hbm>>
      tpu.enqueue_dma source(%dma_start3A_341 : memref<512xi32, #tpu.memory_space<hbm>>) target(%dma_start3A_340 : memref<512xi32, #tpu.memory_space<vmem>>) target_semaphore(%run_scoped3A : memref<!tpu.dma_semaphore, #tpu.memory_space<semaphore_mem>>)
      %dma_wait3A_342 = arith.constant 0 : i32
      %dma_wait3A_343 = tpu.memref_slice %arg13[%dma_wait3A_342] : memref<528xi32, #tpu.memory_space<vmem>> -> memref<512xi32, #tpu.memory_space<vmem>>
      %dma_wait3A_344 = tpu.memref_slice %arg4[%mul3A_2] : memref<16384xi32, #tpu.memory_space<hbm>> -> memref<512xi32, #tpu.memory_space<hbm>>
      %dma_wait3A_345 = arith.constant 0 : i32
      %dma_wait3A_346 = tpu.memref_slice %arg13[%dma_wait3A_345] : memref<528xi32, #tpu.memory_space<vmem>> -> memref<512xi32, #tpu.memory_space<vmem>>
      %dma_wait3A_347 = tpu.memref_slice %arg4[%mul3A_2] : memref<16384xi32, #tpu.memory_space<hbm>> -> memref<512xi32, #tpu.memory_space<hbm>>
      tpu.wait_dma2 semaphore(%run_scoped3A : memref<!tpu.dma_semaphore, #tpu.memory_space<semaphore_mem>>) src(%dma_wait3A_347 : memref<512xi32, #tpu.memory_space<hbm>>) dst(%dma_wait3A_346 : memref<512xi32, #tpu.memory_space<vmem>>)
      tpu.yield
    }) : () -> ()
    "tpu.region"() ({
      %run_scoped3A = tpu.sem_alloc : memref<!tpu.dma_semaphore, #tpu.memory_space<semaphore_mem>>
      %dma_start3A_336 = arith.constant 0 : i32
      %dma_start3A_337 = tpu.memref_slice %arg14[%dma_start3A_336] : memref<528xi32, #tpu.memory_space<vmem>> -> memref<512xi32, #tpu.memory_space<vmem>>
      %dma_start3A_338 = tpu.memref_slice %arg5[%mul3A_2] : memref<16384xi32, #tpu.memory_space<hbm>> -> memref<512xi32, #tpu.memory_space<hbm>>
      %dma_start3A_339 = arith.constant 0 : i32
      %dma_start3A_340 = tpu.memref_slice %arg14[%dma_start3A_339] : memref<528xi32, #tpu.memory_space<vmem>> -> memref<512xi32, #tpu.memory_space<vmem>>
      %dma_start3A_341 = tpu.memref_slice %arg5[%mul3A_2] : memref<16384xi32, #tpu.memory_space<hbm>> -> memref<512xi32, #tpu.memory_space<hbm>>
      tpu.enqueue_dma source(%dma_start3A_341 : memref<512xi32, #tpu.memory_space<hbm>>) target(%dma_start3A_340 : memref<512xi32, #tpu.memory_space<vmem>>) target_semaphore(%run_scoped3A : memref<!tpu.dma_semaphore, #tpu.memory_space<semaphore_mem>>)
      %dma_wait3A_342 = arith.constant 0 : i32
      %dma_wait3A_343 = tpu.memref_slice %arg14[%dma_wait3A_342] : memref<528xi32, #tpu.memory_space<vmem>> -> memref<512xi32, #tpu.memory_space<vmem>>
      %dma_wait3A_344 = tpu.memref_slice %arg5[%mul3A_2] : memref<16384xi32, #tpu.memory_space<hbm>> -> memref<512xi32, #tpu.memory_space<hbm>>
      %dma_wait3A_345 = arith.constant 0 : i32
      %dma_wait3A_346 = tpu.memref_slice %arg14[%dma_wait3A_345] : memref<528xi32, #tpu.memory_space<vmem>> -> memref<512xi32, #tpu.memory_space<vmem>>
      %dma_wait3A_347 = tpu.memref_slice %arg5[%mul3A_2] : memref<16384xi32, #tpu.memory_space<hbm>> -> memref<512xi32, #tpu.memory_space<hbm>>
      tpu.wait_dma2 semaphore(%run_scoped3A : memref<!tpu.dma_semaphore, #tpu.memory_space<semaphore_mem>>) src(%dma_wait3A_347 : memref<512xi32, #tpu.memory_space<hbm>>) dst(%dma_wait3A_346 : memref<512xi32, #tpu.memory_space<vmem>>)
      tpu.yield
    }) : () -> ()
    "tpu.region"() ({
      %run_scoped3A = tpu.sem_alloc : memref<!tpu.dma_semaphore, #tpu.memory_space<semaphore_mem>>
      %dma_start3A_336 = arith.constant 0 : i32
      %dma_start3A_337 = arith.constant 0 : i32
      %dma_start3A_338 = tpu.memref_slice %arg6[%add3A, %dma_start3A_336, %dma_start3A_337] : memref<32x4x128xi32, #tpu.memory_space<hbm>> -> memref<1x4x128xi32, #tpu.memory_space<hbm>>
      %dma_start3A_339 = tpu.memref_squeeze %dma_start3A_338 : memref<1x4x128xi32, #tpu.memory_space<hbm>> -> memref<4x128xi32, #tpu.memory_space<hbm>>
      %dma_start3A_340 = arith.constant 0 : i32
      %dma_start3A_341 = arith.constant 0 : i32
      %dma_start3A_342 = tpu.memref_slice %arg6[%add3A, %dma_start3A_340, %dma_start3A_341] : memref<32x4x128xi32, #tpu.memory_space<hbm>> -> memref<1x4x128xi32, #tpu.memory_space<hbm>>
      %dma_start3A_343 = tpu.memref_squeeze %dma_start3A_342 : memref<1x4x128xi32, #tpu.memory_space<hbm>> -> memref<4x128xi32, #tpu.memory_space<hbm>>
      tpu.enqueue_dma source(%dma_start3A_343 : memref<4x128xi32, #tpu.memory_space<hbm>>) target(%arg15 : memref<4x128xi32, #tpu.memory_space<vmem>>) target_semaphore(%run_scoped3A : memref<!tpu.dma_semaphore, #tpu.memory_space<semaphore_mem>>)
      %dma_wait3A_344 = arith.constant 0 : i32
      %dma_wait3A_345 = arith.constant 0 : i32
      %dma_wait3A_346 = tpu.memref_slice %arg6[%add3A, %dma_wait3A_344, %dma_wait3A_345] : memref<32x4x128xi32, #tpu.memory_space<hbm>> -> memref<1x4x128xi32, #tpu.memory_space<hbm>>
      %dma_wait3A_347 = tpu.memref_squeeze %dma_wait3A_346 : memref<1x4x128xi32, #tpu.memory_space<hbm>> -> memref<4x128xi32, #tpu.memory_space<hbm>>
      %dma_wait3A_348 = arith.constant 0 : i32
      %dma_wait3A_349 = arith.constant 0 : i32
      %dma_wait3A_350 = tpu.memref_slice %arg6[%add3A, %dma_wait3A_348, %dma_wait3A_349] : memref<32x4x128xi32, #tpu.memory_space<hbm>> -> memref<1x4x128xi32, #tpu.memory_space<hbm>>
      %dma_wait3A_351 = tpu.memref_squeeze %dma_wait3A_350 : memref<1x4x128xi32, #tpu.memory_space<hbm>> -> memref<4x128xi32, #tpu.memory_space<hbm>>
      tpu.wait_dma2 semaphore(%run_scoped3A : memref<!tpu.dma_semaphore, #tpu.memory_space<semaphore_mem>>) src(%dma_wait3A_351 : memref<4x128xi32, #tpu.memory_space<hbm>>) dst(%arg15 : memref<4x128xi32, #tpu.memory_space<vmem>>)
      tpu.yield
    }) : () -> ()
    "tpu.region"() ({
      %run_scoped3A = tpu.sem_alloc : memref<!tpu.dma_semaphore, #tpu.memory_space<semaphore_mem>>
      %dma_start3A_336 = arith.constant 0 : i32
      %dma_start3A_337 = arith.constant 0 : i32
      %dma_start3A_338 = tpu.memref_slice %arg7[%add3A, %dma_start3A_336, %dma_start3A_337] : memref<32x4x128xi32, #tpu.memory_space<hbm>> -> memref<1x4x128xi32, #tpu.memory_space<hbm>>
      %dma_start3A_339 = tpu.memref_squeeze %dma_start3A_338 : memref<1x4x128xi32, #tpu.memory_space<hbm>> -> memref<4x128xi32, #tpu.memory_space<hbm>>
      %dma_start3A_340 = arith.constant 0 : i32
      %dma_start3A_341 = arith.constant 0 : i32
      %dma_start3A_342 = tpu.memref_slice %arg7[%add3A, %dma_start3A_340, %dma_start3A_341] : memref<32x4x128xi32, #tpu.memory_space<hbm>> -> memref<1x4x128xi32, #tpu.memory_space<hbm>>
      %dma_start3A_343 = tpu.memref_squeeze %dma_start3A_342 : memref<1x4x128xi32, #tpu.memory_space<hbm>> -> memref<4x128xi32, #tpu.memory_space<hbm>>
      tpu.enqueue_dma source(%dma_start3A_343 : memref<4x128xi32, #tpu.memory_space<hbm>>) target(%arg16 : memref<4x128xi32, #tpu.memory_space<vmem>>) target_semaphore(%run_scoped3A : memref<!tpu.dma_semaphore, #tpu.memory_space<semaphore_mem>>)
      %dma_wait3A_344 = arith.constant 0 : i32
      %dma_wait3A_345 = arith.constant 0 : i32
      %dma_wait3A_346 = tpu.memref_slice %arg7[%add3A, %dma_wait3A_344, %dma_wait3A_345] : memref<32x4x128xi32, #tpu.memory_space<hbm>> -> memref<1x4x128xi32, #tpu.memory_space<hbm>>
      %dma_wait3A_347 = tpu.memref_squeeze %dma_wait3A_346 : memref<1x4x128xi32, #tpu.memory_space<hbm>> -> memref<4x128xi32, #tpu.memory_space<hbm>>
      %dma_wait3A_348 = arith.constant 0 : i32
      %dma_wait3A_349 = arith.constant 0 : i32
      %dma_wait3A_350 = tpu.memref_slice %arg7[%add3A, %dma_wait3A_348, %dma_wait3A_349] : memref<32x4x128xi32, #tpu.memory_space<hbm>> -> memref<1x4x128xi32, #tpu.memory_space<hbm>>
      %dma_wait3A_351 = tpu.memref_squeeze %dma_wait3A_350 : memref<1x4x128xi32, #tpu.memory_space<hbm>> -> memref<4x128xi32, #tpu.memory_space<hbm>>
      tpu.wait_dma2 semaphore(%run_scoped3A : memref<!tpu.dma_semaphore, #tpu.memory_space<semaphore_mem>>) src(%dma_wait3A_351 : memref<4x128xi32, #tpu.memory_space<hbm>>) dst(%arg16 : memref<4x128xi32, #tpu.memory_space<vmem>>)
      tpu.yield
    }) : () -> ()
    %dma_start3A = arith.constant 0 : i32
    %dma_start3A_3 = arith.constant 0 : i32
    %dma_start3A_4 = arith.constant 0 : i32
    %dma_start3A_5 = tpu.memref_slice %arg18[%dma_start3A_3, %dma_start3A_4] : memref<512x128xf32, #tpu.memory_space<vmem>> -> memref<128x128xf32, #tpu.memory_space<vmem>>
    %dma_start3A_6 = arith.constant 0 : i32
    %dma_start3A_7 = tpu.memref_slice %arg15[%dma_start3A, %dma_start3A_6] : memref<4x128xi32, #tpu.memory_space<vmem>> -> memref<1x128xi32, #tpu.memory_space<vmem>>
    %dma_start3A_8 = tpu.memref_squeeze %dma_start3A_7 : memref<1x128xi32, #tpu.memory_space<vmem>> -> memref<128xi32, #tpu.memory_space<vmem>>
    %dma_start3A_9 = arith.constant 0 : i32
    %dma_start3A_10 = arith.constant 0 : i32
    %dma_start3A_11 = tpu.memref_slice %arg8[%dma_start3A_9, %dma_start3A_10] : memref<8192x128xf32, #tpu.memory_space<hbm>> -> memref<8192x128xf32, #tpu.memory_space<hbm>>
    tpu.enqueue_indirect_dma source(%dma_start3A_11 : memref<8192x128xf32, #tpu.memory_space<hbm>>) target(%dma_start3A_5 : memref<128x128xf32, #tpu.memory_space<vmem>>) offsets(%dma_start3A_8 : memref<128xi32, #tpu.memory_space<vmem>>) semaphore(%arg20 : memref<!tpu.dma_semaphore, #tpu.memory_space<semaphore_mem>>)
    %dma_start3A_12 = arith.constant 1 : i32
    %dma_start3A_13 = arith.constant 128 : i32
    %dma_start3A_14 = arith.constant 0 : i32
    %dma_start3A_15 = tpu.memref_slice %arg18[%dma_start3A_13, %dma_start3A_14] : memref<512x128xf32, #tpu.memory_space<vmem>> -> memref<128x128xf32, #tpu.memory_space<vmem>>
    %dma_start3A_16 = arith.constant 0 : i32
    %dma_start3A_17 = tpu.memref_slice %arg15[%dma_start3A_12, %dma_start3A_16] : memref<4x128xi32, #tpu.memory_space<vmem>> -> memref<1x128xi32, #tpu.memory_space<vmem>>
    %dma_start3A_18 = tpu.memref_squeeze %dma_start3A_17 : memref<1x128xi32, #tpu.memory_space<vmem>> -> memref<128xi32, #tpu.memory_space<vmem>>
    %dma_start3A_19 = arith.constant 0 : i32
    %dma_start3A_20 = arith.constant 0 : i32
    %dma_start3A_21 = tpu.memref_slice %arg8[%dma_start3A_19, %dma_start3A_20] : memref<8192x128xf32, #tpu.memory_space<hbm>> -> memref<8192x128xf32, #tpu.memory_space<hbm>>
    tpu.enqueue_indirect_dma source(%dma_start3A_21 : memref<8192x128xf32, #tpu.memory_space<hbm>>) target(%dma_start3A_15 : memref<128x128xf32, #tpu.memory_space<vmem>>) offsets(%dma_start3A_18 : memref<128xi32, #tpu.memory_space<vmem>>) semaphore(%arg20 : memref<!tpu.dma_semaphore, #tpu.memory_space<semaphore_mem>>)
    %dma_start3A_22 = arith.constant 2 : i32
    %dma_start3A_23 = arith.constant 256 : i32
    %dma_start3A_24 = arith.constant 0 : i32
    %dma_start3A_25 = tpu.memref_slice %arg18[%dma_start3A_23, %dma_start3A_24] : memref<512x128xf32, #tpu.memory_space<vmem>> -> memref<128x128xf32, #tpu.memory_space<vmem>>
    %dma_start3A_26 = arith.constant 0 : i32
    %dma_start3A_27 = tpu.memref_slice %arg15[%dma_start3A_22, %dma_start3A_26] : memref<4x128xi32, #tpu.memory_space<vmem>> -> memref<1x128xi32, #tpu.memory_space<vmem>>
    %dma_start3A_28 = tpu.memref_squeeze %dma_start3A_27 : memref<1x128xi32, #tpu.memory_space<vmem>> -> memref<128xi32, #tpu.memory_space<vmem>>
    %dma_start3A_29 = arith.constant 0 : i32
    %dma_start3A_30 = arith.constant 0 : i32
    %dma_start3A_31 = tpu.memref_slice %arg8[%dma_start3A_29, %dma_start3A_30] : memref<8192x128xf32, #tpu.memory_space<hbm>> -> memref<8192x128xf32, #tpu.memory_space<hbm>>
    tpu.enqueue_indirect_dma source(%dma_start3A_31 : memref<8192x128xf32, #tpu.memory_space<hbm>>) target(%dma_start3A_25 : memref<128x128xf32, #tpu.memory_space<vmem>>) offsets(%dma_start3A_28 : memref<128xi32, #tpu.memory_space<vmem>>) semaphore(%arg20 : memref<!tpu.dma_semaphore, #tpu.memory_space<semaphore_mem>>)
    %dma_start3A_32 = arith.constant 3 : i32
    %dma_start3A_33 = arith.constant 384 : i32
    %dma_start3A_34 = arith.constant 0 : i32
    %dma_start3A_35 = tpu.memref_slice %arg18[%dma_start3A_33, %dma_start3A_34] : memref<512x128xf32, #tpu.memory_space<vmem>> -> memref<128x128xf32, #tpu.memory_space<vmem>>
    %dma_start3A_36 = arith.constant 0 : i32
    %dma_start3A_37 = tpu.memref_slice %arg15[%dma_start3A_32, %dma_start3A_36] : memref<4x128xi32, #tpu.memory_space<vmem>> -> memref<1x128xi32, #tpu.memory_space<vmem>>
    %dma_start3A_38 = tpu.memref_squeeze %dma_start3A_37 : memref<1x128xi32, #tpu.memory_space<vmem>> -> memref<128xi32, #tpu.memory_space<vmem>>
    %dma_start3A_39 = arith.constant 0 : i32
    %dma_start3A_40 = arith.constant 0 : i32
    %dma_start3A_41 = tpu.memref_slice %arg8[%dma_start3A_39, %dma_start3A_40] : memref<8192x128xf32, #tpu.memory_space<hbm>> -> memref<8192x128xf32, #tpu.memory_space<hbm>>
    tpu.enqueue_indirect_dma source(%dma_start3A_41 : memref<8192x128xf32, #tpu.memory_space<hbm>>) target(%dma_start3A_35 : memref<128x128xf32, #tpu.memory_space<vmem>>) offsets(%dma_start3A_38 : memref<128xi32, #tpu.memory_space<vmem>>) semaphore(%arg20 : memref<!tpu.dma_semaphore, #tpu.memory_space<semaphore_mem>>)
    %iota3A = tpu.iota {dimensions = array<i32: 0>} : vector<16xi32>
    %sub3A = arith.subi %mul3A_2, %mul3A_2 : i32
    %jit3A = arith.constant 0 : i32
    %jit3A_42 = arith.constant 511 : i32
    %max3A = arith.maxsi %jit3A, %sub3A : i32
    %min3A = arith.minsi %jit3A_42, %max3A : i32
    %get3A = arith.index_cast %min3A : i32 to index
    %get3A_43 = tpu.vector_load %arg11[%get3A] {strides = array<i32>} : memref<528xi32, #tpu.memory_space<vmem>>, vector<16xi32>,
    %slice3A = vector.extract_strided_slice %get3A_43 {offsets = [0], sizes = [1], strides = [1]} : vector<16xi32> to vector<1xi32>
    %squeeze3A = vector.extract %slice3A[0] : i32 from vector<1xi32>
    %ge3A = arith.constant 0 : i32
    %ge3A_44 = arith.cmpi sge, %sub3A, %ge3A : i32
    %lt3A = arith.constant 512 : i32
    %lt3A_45 = arith.cmpi slt, %sub3A, %lt3A : i32
    %and3A = arith.andi %ge3A_44, %lt3A_45 : i1
    %convert_element_type3A = arith.extui %and3A : i1 to i32
    %cond3A = arith.constant 0 : i32
    %cond3A_46 = arith.cmpi ne, %convert_element_type3A, %cond3A : i32
    scf.if %cond3A_46 {
      %mul3A_336 = arith.constant 128 : i32
      %mul3A_337 = arith.muli %squeeze3A, %mul3A_336 : i32
      %multiple_of3A = tpu.assume_multiple %mul3A_337, 128 : i32
      %dma_start3A_338 = arith.constant 0 : i32
      %dma_start3A_339 = arith.constant 0 : i32
      %dma_start3A_340 = arith.constant 0 : i32
      %dma_start3A_341 = tpu.memref_slice %arg17[%dma_start3A_338, %dma_start3A_339, %dma_start3A_340] : memref<6x64x128xf32, #tpu.memory_space<vmem>> -> memref<1x64x128xf32, #tpu.memory_space<vmem>>
      %dma_start3A_342 = tpu.memref_squeeze %dma_start3A_341 : memref<1x64x128xf32, #tpu.memory_space<vmem>> -> memref<64x128xf32, #tpu.memory_space<vmem>>
      %dma_start3A_343 = arith.constant 0 : i32
      %dma_start3A_344 = tpu.memref_slice %arg9[%dma_start3A_343, %multiple_of3A] : memref<64x1000000xf32, #tpu.memory_space<hbm>> -> memref<64x128xf32, #tpu.memory_space<hbm>>
      %dma_start3A_345 = arith.constant 0 : i32
      %dma_start3A_346 = arith.constant 0 : i32
      %dma_start3A_347 = tpu.memref_slice %arg17[%dma_start3A_338, %dma_start3A_345, %dma_start3A_346] : memref<6x64x128xf32, #tpu.memory_space<vmem>> -> memref<1x64x128xf32, #tpu.memory_space<vmem>>
      %dma_start3A_348 = tpu.memref_squeeze %dma_start3A_347 : memref<1x64x128xf32, #tpu.memory_space<vmem>> -> memref<64x128xf32, #tpu.memory_space<vmem>>
      %dma_start3A_349 = arith.constant 0 : i32
      %dma_start3A_350 = tpu.memref_slice %arg9[%dma_start3A_349, %multiple_of3A] : memref<64x1000000xf32, #tpu.memory_space<hbm>> -> memref<64x128xf32, #tpu.memory_space<hbm>>
      tpu.enqueue_dma source(%dma_start3A_350 : memref<64x128xf32, #tpu.memory_space<hbm>>) target(%dma_start3A_348 : memref<64x128xf32, #tpu.memory_space<vmem>>) target_semaphore(%arg19 : memref<!tpu.dma_semaphore, #tpu.memory_space<semaphore_mem>>)
    } else {
    }
    %sub3A_47 = arith.subi %mul3A_2, %mul3A_2 : i32
    %jit3A_48 = arith.constant 0 : i32
    %jit3A_49 = arith.constant 511 : i32
    %max3A_50 = arith.maxsi %jit3A_48, %sub3A_47 : i32
    %min3A_51 = arith.minsi %jit3A_49, %max3A_50 : i32
    %get3A_52 = arith.index_cast %min3A_51 : i32 to index
    %get3A_53 = tpu.vector_load %arg13[%get3A_52] {strides = array<i32>} : memref<528xi32, #tpu.memory_space<vmem>>, vector<16xi32>,
    %slice3A_54 = vector.extract_strided_slice %get3A_53 {offsets = [0], sizes = [1], strides = [1]} : vector<16xi32> to vector<1xi32>
    %squeeze3A_55 = vector.extract %slice3A_54[0] : i32 from vector<1xi32>
    %sub3A_56 = arith.subi %mul3A_2, %mul3A_2 : i32
    %lt3A_57 = arith.constant 512 : i32
    %lt3A_58 = arith.cmpi slt, %sub3A_56, %lt3A_57 : i32
    %jit3A_59 = arith.constant 16384 : i32
    %select_n3A = arith.select %lt3A_58, %squeeze3A_55, %jit3A_59 : i32
    %sub3A_60 = arith.subi %select_n3A, %mul3A_2 : i32
    %jit3A_61 = arith.constant 0 : i32
    %jit3A_62 = arith.constant 511 : i32
    %max3A_63 = arith.maxsi %jit3A_61, %sub3A_60 : i32
    %min3A_64 = arith.minsi %jit3A_62, %max3A_63 : i32
    %get3A_65 = arith.index_cast %min3A_64 : i32 to index
    %get3A_66 = tpu.vector_load %arg11[%get3A_65] {strides = array<i32>} : memref<528xi32, #tpu.memory_space<vmem>>, vector<16xi32>,
    %slice3A_67 = vector.extract_strided_slice %get3A_66 {offsets = [0], sizes = [1], strides = [1]} : vector<16xi32> to vector<1xi32>
    %squeeze3A_68 = vector.extract %slice3A_67[0] : i32 from vector<1xi32>
    %ge3A_69 = arith.constant 0 : i32
    %ge3A_70 = arith.cmpi sge, %sub3A_60, %ge3A_69 : i32
    %lt3A_71 = arith.constant 512 : i32
    %lt3A_72 = arith.cmpi slt, %sub3A_60, %lt3A_71 : i32
    %and3A_73 = arith.andi %ge3A_70, %lt3A_72 : i1
    %convert_element_type3A_74 = arith.extui %and3A_73 : i1 to i32
    %cond3A_75 = arith.constant 0 : i32
    %cond3A_76 = arith.cmpi ne, %convert_element_type3A_74, %cond3A_75 : i32
    scf.if %cond3A_76 {
      %mul3A_336 = arith.constant 128 : i32
      %mul3A_337 = arith.muli %squeeze3A_68, %mul3A_336 : i32
      %multiple_of3A = tpu.assume_multiple %mul3A_337, 128 : i32
      %dma_start3A_338 = arith.constant 1 : i32
      %dma_start3A_339 = arith.constant 0 : i32
      %dma_start3A_340 = arith.constant 0 : i32
      %dma_start3A_341 = tpu.memref_slice %arg17[%dma_start3A_338, %dma_start3A_339, %dma_start3A_340] : memref<6x64x128xf32, #tpu.memory_space<vmem>> -> memref<1x64x128xf32, #tpu.memory_space<vmem>>
      %dma_start3A_342 = tpu.memref_squeeze %dma_start3A_341 : memref<1x64x128xf32, #tpu.memory_space<vmem>> -> memref<64x128xf32, #tpu.memory_space<vmem>>
      %dma_start3A_343 = arith.constant 0 : i32
      %dma_start3A_344 = tpu.memref_slice %arg9[%dma_start3A_343, %multiple_of3A] : memref<64x1000000xf32, #tpu.memory_space<hbm>> -> memref<64x128xf32, #tpu.memory_space<hbm>>
      %dma_start3A_345 = arith.constant 0 : i32
      %dma_start3A_346 = arith.constant 0 : i32
      %dma_start3A_347 = tpu.memref_slice %arg17[%dma_start3A_338, %dma_start3A_345, %dma_start3A_346] : memref<6x64x128xf32, #tpu.memory_space<vmem>> -> memref<1x64x128xf32, #tpu.memory_space<vmem>>
      %dma_start3A_348 = tpu.memref_squeeze %dma_start3A_347 : memref<1x64x128xf32, #tpu.memory_space<vmem>> -> memref<64x128xf32, #tpu.memory_space<vmem>>
      %dma_start3A_349 = arith.constant 0 : i32
      %dma_start3A_350 = tpu.memref_slice %arg9[%dma_start3A_349, %multiple_of3A] : memref<64x1000000xf32, #tpu.memory_space<hbm>> -> memref<64x128xf32, #tpu.memory_space<hbm>>
      tpu.enqueue_dma source(%dma_start3A_350 : memref<64x128xf32, #tpu.memory_space<hbm>>) target(%dma_start3A_348 : memref<64x128xf32, #tpu.memory_space<vmem>>) target_semaphore(%arg19 : memref<!tpu.dma_semaphore, #tpu.memory_space<semaphore_mem>>)
    } else {
    }
    %sub3A_77 = arith.subi %select_n3A, %mul3A_2 : i32
    %jit3A_78 = arith.constant 0 : i32
    %jit3A_79 = arith.constant 511 : i32
    %max3A_80 = arith.maxsi %jit3A_78, %sub3A_77 : i32
    %min3A_81 = arith.minsi %jit3A_79, %max3A_80 : i32
    %get3A_82 = arith.index_cast %min3A_81 : i32 to index
    %get3A_83 = tpu.vector_load %arg13[%get3A_82] {strides = array<i32>} : memref<528xi32, #tpu.memory_space<vmem>>, vector<16xi32>,
    %slice3A_84 = vector.extract_strided_slice %get3A_83 {offsets = [0], sizes = [1], strides = [1]} : vector<16xi32> to vector<1xi32>
    %squeeze3A_85 = vector.extract %slice3A_84[0] : i32 from vector<1xi32>
    %sub3A_86 = arith.subi %select_n3A, %mul3A_2 : i32
    %lt3A_87 = arith.constant 512 : i32
    %lt3A_88 = arith.cmpi slt, %sub3A_86, %lt3A_87 : i32
    %jit3A_89 = arith.constant 16384 : i32
    %select_n3A_90 = arith.select %lt3A_88, %squeeze3A_85, %jit3A_89 : i32
    %sub3A_91 = arith.subi %select_n3A_90, %mul3A_2 : i32
    %jit3A_92 = arith.constant 0 : i32
    %jit3A_93 = arith.constant 511 : i32
    %max3A_94 = arith.maxsi %jit3A_92, %sub3A_91 : i32
    %min3A_95 = arith.minsi %jit3A_93, %max3A_94 : i32
    %get3A_96 = arith.index_cast %min3A_95 : i32 to index
    %get3A_97 = tpu.vector_load %arg11[%get3A_96] {strides = array<i32>} : memref<528xi32, #tpu.memory_space<vmem>>, vector<16xi32>,
    %slice3A_98 = vector.extract_strided_slice %get3A_97 {offsets = [0], sizes = [1], strides = [1]} : vector<16xi32> to vector<1xi32>
    %squeeze3A_99 = vector.extract %slice3A_98[0] : i32 from vector<1xi32>
    %ge3A_100 = arith.constant 0 : i32
    %ge3A_101 = arith.cmpi sge, %sub3A_91, %ge3A_100 : i32
    %lt3A_102 = arith.constant 512 : i32
    %lt3A_103 = arith.cmpi slt, %sub3A_91, %lt3A_102 : i32
    %and3A_104 = arith.andi %ge3A_101, %lt3A_103 : i1
    %convert_element_type3A_105 = arith.extui %and3A_104 : i1 to i32
    %cond3A_106 = arith.constant 0 : i32
    %cond3A_107 = arith.cmpi ne, %convert_element_type3A_105, %cond3A_106 : i32
    scf.if %cond3A_107 {
      %mul3A_336 = arith.constant 128 : i32
      %mul3A_337 = arith.muli %squeeze3A_99, %mul3A_336 : i32
      %multiple_of3A = tpu.assume_multiple %mul3A_337, 128 : i32
      %dma_start3A_338 = arith.constant 2 : i32
      %dma_start3A_339 = arith.constant 0 : i32
      %dma_start3A_340 = arith.constant 0 : i32
      %dma_start3A_341 = tpu.memref_slice %arg17[%dma_start3A_338, %dma_start3A_339, %dma_start3A_340] : memref<6x64x128xf32, #tpu.memory_space<vmem>> -> memref<1x64x128xf32, #tpu.memory_space<vmem>>
      %dma_start3A_342 = tpu.memref_squeeze %dma_start3A_341 : memref<1x64x128xf32, #tpu.memory_space<vmem>> -> memref<64x128xf32, #tpu.memory_space<vmem>>
      %dma_start3A_343 = arith.constant 0 : i32
      %dma_start3A_344 = tpu.memref_slice %arg9[%dma_start3A_343, %multiple_of3A] : memref<64x1000000xf32, #tpu.memory_space<hbm>> -> memref<64x128xf32, #tpu.memory_space<hbm>>
      %dma_start3A_345 = arith.constant 0 : i32
      %dma_start3A_346 = arith.constant 0 : i32
      %dma_start3A_347 = tpu.memref_slice %arg17[%dma_start3A_338, %dma_start3A_345, %dma_start3A_346] : memref<6x64x128xf32, #tpu.memory_space<vmem>> -> memref<1x64x128xf32, #tpu.memory_space<vmem>>
      %dma_start3A_348 = tpu.memref_squeeze %dma_start3A_347 : memref<1x64x128xf32, #tpu.memory_space<vmem>> -> memref<64x128xf32, #tpu.memory_space<vmem>>
      %dma_start3A_349 = arith.constant 0 : i32
      %dma_start3A_350 = tpu.memref_slice %arg9[%dma_start3A_349, %multiple_of3A] : memref<64x1000000xf32, #tpu.memory_space<hbm>> -> memref<64x128xf32, #tpu.memory_space<hbm>>
      tpu.enqueue_dma source(%dma_start3A_350 : memref<64x128xf32, #tpu.memory_space<hbm>>) target(%dma_start3A_348 : memref<64x128xf32, #tpu.memory_space<vmem>>) target_semaphore(%arg19 : memref<!tpu.dma_semaphore, #tpu.memory_space<semaphore_mem>>)
    } else {
    }
    %sub3A_108 = arith.subi %select_n3A_90, %mul3A_2 : i32
    %jit3A_109 = arith.constant 0 : i32
    %jit3A_110 = arith.constant 511 : i32
    %max3A_111 = arith.maxsi %jit3A_109, %sub3A_108 : i32
    %min3A_112 = arith.minsi %jit3A_110, %max3A_111 : i32
    %get3A_113 = arith.index_cast %min3A_112 : i32 to index
    %get3A_114 = tpu.vector_load %arg13[%get3A_113] {strides = array<i32>} : memref<528xi32, #tpu.memory_space<vmem>>, vector<16xi32>,
    %slice3A_115 = vector.extract_strided_slice %get3A_114 {offsets = [0], sizes = [1], strides = [1]} : vector<16xi32> to vector<1xi32>
    %squeeze3A_116 = vector.extract %slice3A_115[0] : i32 from vector<1xi32>
    %sub3A_117 = arith.subi %select_n3A_90, %mul3A_2 : i32
    %lt3A_118 = arith.constant 512 : i32
    %lt3A_119 = arith.cmpi slt, %sub3A_117, %lt3A_118 : i32
    %jit3A_120 = arith.constant 16384 : i32
    %select_n3A_121 = arith.select %lt3A_119, %squeeze3A_116, %jit3A_120 : i32
    %sub3A_122 = arith.subi %select_n3A_121, %mul3A_2 : i32
    %jit3A_123 = arith.constant 0 : i32
    %jit3A_124 = arith.constant 511 : i32
    %max3A_125 = arith.maxsi %jit3A_123, %sub3A_122 : i32
    %min3A_126 = arith.minsi %jit3A_124, %max3A_125 : i32
    %get3A_127 = arith.index_cast %min3A_126 : i32 to index
    %get3A_128 = tpu.vector_load %arg11[%get3A_127] {strides = array<i32>} : memref<528xi32, #tpu.memory_space<vmem>>, vector<16xi32>,
    %slice3A_129 = vector.extract_strided_slice %get3A_128 {offsets = [0], sizes = [1], strides = [1]} : vector<16xi32> to vector<1xi32>
    %squeeze3A_130 = vector.extract %slice3A_129[0] : i32 from vector<1xi32>
    %ge3A_131 = arith.constant 0 : i32
    %ge3A_132 = arith.cmpi sge, %sub3A_122, %ge3A_131 : i32
    %lt3A_133 = arith.constant 512 : i32
    %lt3A_134 = arith.cmpi slt, %sub3A_122, %lt3A_133 : i32
    %and3A_135 = arith.andi %ge3A_132, %lt3A_134 : i1
    %convert_element_type3A_136 = arith.extui %and3A_135 : i1 to i32
    %cond3A_137 = arith.constant 0 : i32
    %cond3A_138 = arith.cmpi ne, %convert_element_type3A_136, %cond3A_137 : i32
    scf.if %cond3A_138 {
      %mul3A_336 = arith.constant 128 : i32
      %mul3A_337 = arith.muli %squeeze3A_130, %mul3A_336 : i32
      %multiple_of3A = tpu.assume_multiple %mul3A_337, 128 : i32
      %dma_start3A_338 = arith.constant 3 : i32
      %dma_start3A_339 = arith.constant 0 : i32
      %dma_start3A_340 = arith.constant 0 : i32
      %dma_start3A_341 = tpu.memref_slice %arg17[%dma_start3A_338, %dma_start3A_339, %dma_start3A_340] : memref<6x64x128xf32, #tpu.memory_space<vmem>> -> memref<1x64x128xf32, #tpu.memory_space<vmem>>
      %dma_start3A_342 = tpu.memref_squeeze %dma_start3A_341 : memref<1x64x128xf32, #tpu.memory_space<vmem>> -> memref<64x128xf32, #tpu.memory_space<vmem>>
      %dma_start3A_343 = arith.constant 0 : i32
      %dma_start3A_344 = tpu.memref_slice %arg9[%dma_start3A_343, %multiple_of3A] : memref<64x1000000xf32, #tpu.memory_space<hbm>> -> memref<64x128xf32, #tpu.memory_space<hbm>>
      %dma_start3A_345 = arith.constant 0 : i32
      %dma_start3A_346 = arith.constant 0 : i32
      %dma_start3A_347 = tpu.memref_slice %arg17[%dma_start3A_338, %dma_start3A_345, %dma_start3A_346] : memref<6x64x128xf32, #tpu.memory_space<vmem>> -> memref<1x64x128xf32, #tpu.memory_space<vmem>>
      %dma_start3A_348 = tpu.memref_squeeze %dma_start3A_347 : memref<1x64x128xf32, #tpu.memory_space<vmem>> -> memref<64x128xf32, #tpu.memory_space<vmem>>
      %dma_start3A_349 = arith.constant 0 : i32
      %dma_start3A_350 = tpu.memref_slice %arg9[%dma_start3A_349, %multiple_of3A] : memref<64x1000000xf32, #tpu.memory_space<hbm>> -> memref<64x128xf32, #tpu.memory_space<hbm>>
      tpu.enqueue_dma source(%dma_start3A_350 : memref<64x128xf32, #tpu.memory_space<hbm>>) target(%dma_start3A_348 : memref<64x128xf32, #tpu.memory_space<vmem>>) target_semaphore(%arg19 : memref<!tpu.dma_semaphore, #tpu.memory_space<semaphore_mem>>)
    } else {
    }
    %sub3A_139 = arith.subi %select_n3A_121, %mul3A_2 : i32
    %jit3A_140 = arith.constant 0 : i32
    %jit3A_141 = arith.constant 511 : i32
    %max3A_142 = arith.maxsi %jit3A_140, %sub3A_139 : i32
    %min3A_143 = arith.minsi %jit3A_141, %max3A_142 : i32
    %get3A_144 = arith.index_cast %min3A_143 : i32 to index
    %get3A_145 = tpu.vector_load %arg13[%get3A_144] {strides = array<i32>} : memref<528xi32, #tpu.memory_space<vmem>>, vector<16xi32>,
    %slice3A_146 = vector.extract_strided_slice %get3A_145 {offsets = [0], sizes = [1], strides = [1]} : vector<16xi32> to vector<1xi32>
    %squeeze3A_147 = vector.extract %slice3A_146[0] : i32 from vector<1xi32>
    %sub3A_148 = arith.subi %select_n3A_121, %mul3A_2 : i32
    %lt3A_149 = arith.constant 512 : i32
    %lt3A_150 = arith.cmpi slt, %sub3A_148, %lt3A_149 : i32
    %jit3A_151 = arith.constant 16384 : i32
    %select_n3A_152 = arith.select %lt3A_150, %squeeze3A_147, %jit3A_151 : i32
    %sub3A_153 = arith.subi %select_n3A_152, %mul3A_2 : i32
    %jit3A_154 = arith.constant 0 : i32
    %jit3A_155 = arith.constant 511 : i32
    %max3A_156 = arith.maxsi %jit3A_154, %sub3A_153 : i32
    %min3A_157 = arith.minsi %jit3A_155, %max3A_156 : i32
    %get3A_158 = arith.index_cast %min3A_157 : i32 to index
    %get3A_159 = tpu.vector_load %arg11[%get3A_158] {strides = array<i32>} : memref<528xi32, #tpu.memory_space<vmem>>, vector<16xi32>,
    %slice3A_160 = vector.extract_strided_slice %get3A_159 {offsets = [0], sizes = [1], strides = [1]} : vector<16xi32> to vector<1xi32>
    %squeeze3A_161 = vector.extract %slice3A_160[0] : i32 from vector<1xi32>
    %ge3A_162 = arith.constant 0 : i32
    %ge3A_163 = arith.cmpi sge, %sub3A_153, %ge3A_162 : i32
    %lt3A_164 = arith.constant 512 : i32
    %lt3A_165 = arith.cmpi slt, %sub3A_153, %lt3A_164 : i32
    %and3A_166 = arith.andi %ge3A_163, %lt3A_165 : i1
    %convert_element_type3A_167 = arith.extui %and3A_166 : i1 to i32
    %cond3A_168 = arith.constant 0 : i32
    %cond3A_169 = arith.cmpi ne, %convert_element_type3A_167, %cond3A_168 : i32
    scf.if %cond3A_169 {
      %mul3A_336 = arith.constant 128 : i32
      %mul3A_337 = arith.muli %squeeze3A_161, %mul3A_336 : i32
      %multiple_of3A = tpu.assume_multiple %mul3A_337, 128 : i32
      %dma_start3A_338 = arith.constant 4 : i32
      %dma_start3A_339 = arith.constant 0 : i32
      %dma_start3A_340 = arith.constant 0 : i32
      %dma_start3A_341 = tpu.memref_slice %arg17[%dma_start3A_338, %dma_start3A_339, %dma_start3A_340] : memref<6x64x128xf32, #tpu.memory_space<vmem>> -> memref<1x64x128xf32, #tpu.memory_space<vmem>>
      %dma_start3A_342 = tpu.memref_squeeze %dma_start3A_341 : memref<1x64x128xf32, #tpu.memory_space<vmem>> -> memref<64x128xf32, #tpu.memory_space<vmem>>
      %dma_start3A_343 = arith.constant 0 : i32
      %dma_start3A_344 = tpu.memref_slice %arg9[%dma_start3A_343, %multiple_of3A] : memref<64x1000000xf32, #tpu.memory_space<hbm>> -> memref<64x128xf32, #tpu.memory_space<hbm>>
      %dma_start3A_345 = arith.constant 0 : i32
      %dma_start3A_346 = arith.constant 0 : i32
      %dma_start3A_347 = tpu.memref_slice %arg17[%dma_start3A_338, %dma_start3A_345, %dma_start3A_346] : memref<6x64x128xf32, #tpu.memory_space<vmem>> -> memref<1x64x128xf32, #tpu.memory_space<vmem>>
      %dma_start3A_348 = tpu.memref_squeeze %dma_start3A_347 : memref<1x64x128xf32, #tpu.memory_space<vmem>> -> memref<64x128xf32, #tpu.memory_space<vmem>>
      %dma_start3A_349 = arith.constant 0 : i32
      %dma_start3A_350 = tpu.memref_slice %arg9[%dma_start3A_349, %multiple_of3A] : memref<64x1000000xf32, #tpu.memory_space<hbm>> -> memref<64x128xf32, #tpu.memory_space<hbm>>
      tpu.enqueue_dma source(%dma_start3A_350 : memref<64x128xf32, #tpu.memory_space<hbm>>) target(%dma_start3A_348 : memref<64x128xf32, #tpu.memory_space<vmem>>) target_semaphore(%arg19 : memref<!tpu.dma_semaphore, #tpu.memory_space<semaphore_mem>>)
    } else {
    }
    %sub3A_170 = arith.subi %select_n3A_152, %mul3A_2 : i32
    %jit3A_171 = arith.constant 0 : i32
    %jit3A_172 = arith.constant 511 : i32
    %max3A_173 = arith.maxsi %jit3A_171, %sub3A_170 : i32
    %min3A_174 = arith.minsi %jit3A_172, %max3A_173 : i32
    %get3A_175 = arith.index_cast %min3A_174 : i32 to index
    %get3A_176 = tpu.vector_load %arg13[%get3A_175] {strides = array<i32>} : memref<528xi32, #tpu.memory_space<vmem>>, vector<16xi32>,
    %slice3A_177 = vector.extract_strided_slice %get3A_176 {offsets = [0], sizes = [1], strides = [1]} : vector<16xi32> to vector<1xi32>
    %squeeze3A_178 = vector.extract %slice3A_177[0] : i32 from vector<1xi32>
    %sub3A_179 = arith.subi %select_n3A_152, %mul3A_2 : i32
    %lt3A_180 = arith.constant 512 : i32
    %lt3A_181 = arith.cmpi slt, %sub3A_179, %lt3A_180 : i32
    %jit3A_182 = arith.constant 16384 : i32
    %select_n3A_183 = arith.select %lt3A_181, %squeeze3A_178, %jit3A_182 : i32
    %sub3A_184 = arith.subi %select_n3A_183, %mul3A_2 : i32
    %jit3A_185 = arith.constant 0 : i32
    %jit3A_186 = arith.constant 511 : i32
    %max3A_187 = arith.maxsi %jit3A_185, %sub3A_184 : i32
    %min3A_188 = arith.minsi %jit3A_186, %max3A_187 : i32
    %get3A_189 = arith.index_cast %min3A_188 : i32 to index
    %get3A_190 = tpu.vector_load %arg11[%get3A_189] {strides = array<i32>} : memref<528xi32, #tpu.memory_space<vmem>>, vector<16xi32>,
    %slice3A_191 = vector.extract_strided_slice %get3A_190 {offsets = [0], sizes = [1], strides = [1]} : vector<16xi32> to vector<1xi32>
    %squeeze3A_192 = vector.extract %slice3A_191[0] : i32 from vector<1xi32>
    %ge3A_193 = arith.constant 0 : i32
    %ge3A_194 = arith.cmpi sge, %sub3A_184, %ge3A_193 : i32
    %lt3A_195 = arith.constant 512 : i32
    %lt3A_196 = arith.cmpi slt, %sub3A_184, %lt3A_195 : i32
    %and3A_197 = arith.andi %ge3A_194, %lt3A_196 : i1
    %convert_element_type3A_198 = arith.extui %and3A_197 : i1 to i32
    %cond3A_199 = arith.constant 0 : i32
    %cond3A_200 = arith.cmpi ne, %convert_element_type3A_198, %cond3A_199 : i32
    scf.if %cond3A_200 {
      %mul3A_336 = arith.constant 128 : i32
      %mul3A_337 = arith.muli %squeeze3A_192, %mul3A_336 : i32
      %multiple_of3A = tpu.assume_multiple %mul3A_337, 128 : i32
      %dma_start3A_338 = arith.constant 5 : i32
      %dma_start3A_339 = arith.constant 0 : i32
      %dma_start3A_340 = arith.constant 0 : i32
      %dma_start3A_341 = tpu.memref_slice %arg17[%dma_start3A_338, %dma_start3A_339, %dma_start3A_340] : memref<6x64x128xf32, #tpu.memory_space<vmem>> -> memref<1x64x128xf32, #tpu.memory_space<vmem>>
      %dma_start3A_342 = tpu.memref_squeeze %dma_start3A_341 : memref<1x64x128xf32, #tpu.memory_space<vmem>> -> memref<64x128xf32, #tpu.memory_space<vmem>>
      %dma_start3A_343 = arith.constant 0 : i32
      %dma_start3A_344 = tpu.memref_slice %arg9[%dma_start3A_343, %multiple_of3A] : memref<64x1000000xf32, #tpu.memory_space<hbm>> -> memref<64x128xf32, #tpu.memory_space<hbm>>
      %dma_start3A_345 = arith.constant 0 : i32
      %dma_start3A_346 = arith.constant 0 : i32
      %dma_start3A_347 = tpu.memref_slice %arg17[%dma_start3A_338, %dma_start3A_345, %dma_start3A_346] : memref<6x64x128xf32, #tpu.memory_space<vmem>> -> memref<1x64x128xf32, #tpu.memory_space<vmem>>
      %dma_start3A_348 = tpu.memref_squeeze %dma_start3A_347 : memref<1x64x128xf32, #tpu.memory_space<vmem>> -> memref<64x128xf32, #tpu.memory_space<vmem>>
      %dma_start3A_349 = arith.constant 0 : i32
      %dma_start3A_350 = tpu.memref_slice %arg9[%dma_start3A_349, %multiple_of3A] : memref<64x1000000xf32, #tpu.memory_space<hbm>> -> memref<64x128xf32, #tpu.memory_space<hbm>>
      tpu.enqueue_dma source(%dma_start3A_350 : memref<64x128xf32, #tpu.memory_space<hbm>>) target(%dma_start3A_348 : memref<64x128xf32, #tpu.memory_space<vmem>>) target_semaphore(%arg19 : memref<!tpu.dma_semaphore, #tpu.memory_space<semaphore_mem>>)
    } else {
    }
    %sub3A_201 = arith.subi %select_n3A_183, %mul3A_2 : i32
    %jit3A_202 = arith.constant 0 : i32
    %jit3A_203 = arith.constant 511 : i32
    %max3A_204 = arith.maxsi %jit3A_202, %sub3A_201 : i32
    %min3A_205 = arith.minsi %jit3A_203, %max3A_204 : i32
    %get3A_206 = arith.index_cast %min3A_205 : i32 to index
    %get3A_207 = tpu.vector_load %arg13[%get3A_206] {strides = array<i32>} : memref<528xi32, #tpu.memory_space<vmem>>, vector<16xi32>,
    %slice3A_208 = vector.extract_strided_slice %get3A_207 {offsets = [0], sizes = [1], strides = [1]} : vector<16xi32> to vector<1xi32>
    %squeeze3A_209 = vector.extract %slice3A_208[0] : i32 from vector<1xi32>
    %sub3A_210 = arith.subi %select_n3A_183, %mul3A_2 : i32
    %lt3A_211 = arith.constant 512 : i32
    %lt3A_212 = arith.cmpi slt, %sub3A_210, %lt3A_211 : i32
    %jit3A_213 = arith.constant 16384 : i32
    %select_n3A_214 = arith.select %lt3A_212, %squeeze3A_209, %jit3A_213 : i32
    %dma_wait3A = arith.constant 0 : i32
    %dma_wait3A_215 = arith.constant 0 : i32
    %dma_wait3A_216 = arith.constant 0 : i32
    %dma_wait3A_217 = tpu.memref_slice %arg18[%dma_wait3A_215, %dma_wait3A_216] : memref<512x128xf32, #tpu.memory_space<vmem>> -> memref<128x128xf32, #tpu.memory_space<vmem>>
    %dma_wait3A_218 = arith.constant 0 : i32
    %dma_wait3A_219 = tpu.memref_slice %arg15[%dma_wait3A, %dma_wait3A_218] : memref<4x128xi32, #tpu.memory_space<vmem>> -> memref<1x128xi32, #tpu.memory_space<vmem>>
    %dma_wait3A_220 = tpu.memref_squeeze %dma_wait3A_219 : memref<1x128xi32, #tpu.memory_space<vmem>> -> memref<128xi32, #tpu.memory_space<vmem>>
    %dma_wait3A_221 = arith.constant 0 : i32
    %dma_wait3A_222 = arith.constant 0 : i32
    %dma_wait3A_223 = tpu.memref_slice %arg8[%dma_wait3A_221, %dma_wait3A_222] : memref<8192x128xf32, #tpu.memory_space<hbm>> -> memref<8192x128xf32, #tpu.memory_space<hbm>>
    tpu.wait_indirect_dma semaphore(%arg20 : memref<!tpu.dma_semaphore, #tpu.memory_space<semaphore_mem>>) src(%dma_wait3A_223 : memref<8192x128xf32, #tpu.memory_space<hbm>>) dst(%dma_wait3A_217 : memref<128x128xf32, #tpu.memory_space<vmem>>)
    %dma_wait3A_224 = arith.constant 1 : i32
    %dma_wait3A_225 = arith.constant 128 : i32
    %dma_wait3A_226 = arith.constant 0 : i32
    %dma_wait3A_227 = tpu.memref_slice %arg18[%dma_wait3A_225, %dma_wait3A_226] : memref<512x128xf32, #tpu.memory_space<vmem>> -> memref<128x128xf32, #tpu.memory_space<vmem>>
    %dma_wait3A_228 = arith.constant 0 : i32
    %dma_wait3A_229 = tpu.memref_slice %arg15[%dma_wait3A_224, %dma_wait3A_228] : memref<4x128xi32, #tpu.memory_space<vmem>> -> memref<1x128xi32, #tpu.memory_space<vmem>>
    %dma_wait3A_230 = tpu.memref_squeeze %dma_wait3A_229 : memref<1x128xi32, #tpu.memory_space<vmem>> -> memref<128xi32, #tpu.memory_space<vmem>>
    %dma_wait3A_231 = arith.constant 0 : i32
    %dma_wait3A_232 = arith.constant 0 : i32
    %dma_wait3A_233 = tpu.memref_slice %arg8[%dma_wait3A_231, %dma_wait3A_232] : memref<8192x128xf32, #tpu.memory_space<hbm>> -> memref<8192x128xf32, #tpu.memory_space<hbm>>
    tpu.wait_indirect_dma semaphore(%arg20 : memref<!tpu.dma_semaphore, #tpu.memory_space<semaphore_mem>>) src(%dma_wait3A_233 : memref<8192x128xf32, #tpu.memory_space<hbm>>) dst(%dma_wait3A_227 : memref<128x128xf32, #tpu.memory_space<vmem>>)
    %dma_wait3A_234 = arith.constant 2 : i32
    %dma_wait3A_235 = arith.constant 256 : i32
    %dma_wait3A_236 = arith.constant 0 : i32
    %dma_wait3A_237 = tpu.memref_slice %arg18[%dma_wait3A_235, %dma_wait3A_236] : memref<512x128xf32, #tpu.memory_space<vmem>> -> memref<128x128xf32, #tpu.memory_space<vmem>>
    %dma_wait3A_238 = arith.constant 0 : i32
    %dma_wait3A_239 = tpu.memref_slice %arg15[%dma_wait3A_234, %dma_wait3A_238] : memref<4x128xi32, #tpu.memory_space<vmem>> -> memref<1x128xi32, #tpu.memory_space<vmem>>
    %dma_wait3A_240 = tpu.memref_squeeze %dma_wait3A_239 : memref<1x128xi32, #tpu.memory_space<vmem>> -> memref<128xi32, #tpu.memory_space<vmem>>
    %dma_wait3A_241 = arith.constant 0 : i32
    %dma_wait3A_242 = arith.constant 0 : i32
    %dma_wait3A_243 = tpu.memref_slice %arg8[%dma_wait3A_241, %dma_wait3A_242] : memref<8192x128xf32, #tpu.memory_space<hbm>> -> memref<8192x128xf32, #tpu.memory_space<hbm>>
    tpu.wait_indirect_dma semaphore(%arg20 : memref<!tpu.dma_semaphore, #tpu.memory_space<semaphore_mem>>) src(%dma_wait3A_243 : memref<8192x128xf32, #tpu.memory_space<hbm>>) dst(%dma_wait3A_237 : memref<128x128xf32, #tpu.memory_space<vmem>>)
    %dma_wait3A_244 = arith.constant 3 : i32
    %dma_wait3A_245 = arith.constant 384 : i32
    %dma_wait3A_246 = arith.constant 0 : i32
    %dma_wait3A_247 = tpu.memref_slice %arg18[%dma_wait3A_245, %dma_wait3A_246] : memref<512x128xf32, #tpu.memory_space<vmem>> -> memref<128x128xf32, #tpu.memory_space<vmem>>
    %dma_wait3A_248 = arith.constant 0 : i32
    %dma_wait3A_249 = tpu.memref_slice %arg15[%dma_wait3A_244, %dma_wait3A_248] : memref<4x128xi32, #tpu.memory_space<vmem>> -> memref<1x128xi32, #tpu.memory_space<vmem>>
    %dma_wait3A_250 = tpu.memref_squeeze %dma_wait3A_249 : memref<1x128xi32, #tpu.memory_space<vmem>> -> memref<128xi32, #tpu.memory_space<vmem>>
    %dma_wait3A_251 = arith.constant 0 : i32
    %dma_wait3A_252 = arith.constant 0 : i32
    %dma_wait3A_253 = tpu.memref_slice %arg8[%dma_wait3A_251, %dma_wait3A_252] : memref<8192x128xf32, #tpu.memory_space<hbm>> -> memref<8192x128xf32, #tpu.memory_space<hbm>>
    tpu.wait_indirect_dma semaphore(%arg20 : memref<!tpu.dma_semaphore, #tpu.memory_space<semaphore_mem>>) src(%dma_wait3A_253 : memref<8192x128xf32, #tpu.memory_space<hbm>>) dst(%dma_wait3A_247 : memref<128x128xf32, #tpu.memory_space<vmem>>)
    %while3A = arith.constant 0 : i32
    %while3A_254 = arith.constant 0 : i32
    %while3A_255:3 = scf.while (%while3A_336 = %while3A, %while3A_337 = %while3A_254, %while3A_338 = %select_n3A_214) : (i32, i32, i32) -> (i32, i32, i32) {
      %lt3A_339 = arith.constant 512 : i32
      %lt3A_340 = arith.cmpi slt, %while3A_336, %lt3A_339 : i32
      scf.condition(%lt3A_340) %while3A_336, %while3A_337, %while3A_338 : i32, i32, i32
    } do {
    ^bb0(%while3A_336: i32, %while3A_337: i32, %while3A_338: i32):
      %rem3A = arith.constant 6 : i32
      %rem3A_339 = arith.remsi %while3A_337, %rem3A : i32
      %dma_wait3A_340 = arith.constant 0 : i32
      %dma_wait3A_341 = arith.constant 0 : i32
      %dma_wait3A_342 = tpu.memref_slice %arg17[%rem3A_339, %dma_wait3A_340, %dma_wait3A_341] : memref<6x64x128xf32, #tpu.memory_space<vmem>> -> memref<1x64x128xf32, #tpu.memory_space<vmem>>
      %dma_wait3A_343 = tpu.memref_squeeze %dma_wait3A_342 : memref<1x64x128xf32, #tpu.memory_space<vmem>> -> memref<64x128xf32, #tpu.memory_space<vmem>>
      %dma_wait3A_344 = arith.constant 0 : i32
      %dma_wait3A_345 = arith.constant 0 : i32
      %dma_wait3A_346 = tpu.memref_slice %arg9[%dma_wait3A_344, %dma_wait3A_345] : memref<64x1000000xf32, #tpu.memory_space<hbm>> -> memref<64x128xf32, #tpu.memory_space<hbm>>
      %dma_wait3A_347 = arith.constant 0 : i32
      %dma_wait3A_348 = arith.constant 0 : i32
      %dma_wait3A_349 = tpu.memref_slice %arg17[%rem3A_339, %dma_wait3A_347, %dma_wait3A_348] : memref<6x64x128xf32, #tpu.memory_space<vmem>> -> memref<1x64x128xf32, #tpu.memory_space<vmem>>
      %dma_wait3A_350 = tpu.memref_squeeze %dma_wait3A_349 : memref<1x64x128xf32, #tpu.memory_space<vmem>> -> memref<64x128xf32, #tpu.memory_space<vmem>>
      %dma_wait3A_351 = arith.constant 0 : i32
      %dma_wait3A_352 = arith.constant 0 : i32
      %dma_wait3A_353 = tpu.memref_slice %arg9[%dma_wait3A_351, %dma_wait3A_352] : memref<64x1000000xf32, #tpu.memory_space<hbm>> -> memref<64x128xf32, #tpu.memory_space<hbm>>
      tpu.wait_dma2 semaphore(%arg19 : memref<!tpu.dma_semaphore, #tpu.memory_space<semaphore_mem>>) src(%dma_wait3A_353 : memref<64x128xf32, #tpu.memory_space<hbm>>) dst(%dma_wait3A_350 : memref<64x128xf32, #tpu.memory_space<vmem>>)
      %broadcast_in_dim3A = vector.broadcast %rem3A_339 : i32 to vector<16xi32>
      %jit3A_354 = arith.constant 0 : i32
      %jit3A_355 = arith.constant 511 : i32
      %max3A_356 = arith.maxsi %jit3A_354, %while3A_336 : i32
      %min3A_357 = arith.minsi %jit3A_355, %max3A_356 : i32
      %get3A_358 = arith.index_cast %min3A_357 : i32 to index
      %get3A_359 = tpu.vector_load %arg13[%get3A_358] {strides = array<i32>} : memref<528xi32, #tpu.memory_space<vmem>>, vector<16xi32>,
      %slice3A_360 = vector.extract_strided_slice %get3A_359 {offsets = [0], sizes = [1], strides = [1]} : vector<16xi32> to vector<1xi32>
      %squeeze3A_361 = vector.extract %slice3A_360[0] : i32 from vector<1xi32>
      %sub3A_362 = arith.subi %squeeze3A_361, %mul3A_2 : i32
      %min3A_363 = arith.constant 512 : i32
      %min3A_364 = arith.minsi %sub3A_362, %min3A_363 : i32
      %while3A_365 = arith.constant 0 : i32
      %while3A_366 = arith.subi %min3A_364, %while3A_336 : i32
      %while3A_367 = arith.addi %while3A_336, %while3A_366 : i32
      %while3A_368 = arith.constant 1 : i32
      %while3A_369 = arith.divsi %while3A_366, %while3A_368 : i32
      %while3A_370 = arith.muli %while3A_369, %while3A_368 : i32
      %while3A_371 = arith.addi %while3A_336, %while3A_370 : i32
      %while3A_372 = arith.constant 1 : i32
      scf.for %while3A_407 = %while3A_336 to %while3A_371 step %while3A_372  : i32 {
        %jit3A_408 = arith.constant 0 : i32
        %jit3A_409 = arith.constant 511 : i32
        %max3A_410 = arith.maxsi %jit3A_408, %while3A_407 : i32
        %min3A_411 = arith.minsi %jit3A_409, %max3A_410 : i32
        %get3A_412 = arith.index_cast %min3A_411 : i32 to index
        %get3A_413 = tpu.vector_load %arg12[%get3A_412] {strides = array<i32>} : memref<528xi32, #tpu.memory_space<vmem>>, vector<16xi32>,
        %slice3A_414 = vector.extract_strided_slice %get3A_413 {offsets = [0], sizes = [1], strides = [1]} : vector<16xi32> to vector<1xi32>
        %squeeze3A_415 = vector.extract %slice3A_414[0] : i32 from vector<1xi32>
        %broadcast_in_dim3A_416 = vector.broadcast %squeeze3A_415 : i32 to vector<16xi32>
        %broadcast_in_dim3A_417 = vector.broadcast %while3A_407 : i32 to vector<16xi32>
        %jit3A_418 = arith.constant 0 : i32
        %jit3A_419 = arith.constant 511 : i32
        %max3A_420 = arith.maxsi %jit3A_418, %while3A_407 : i32
        %min3A_421 = arith.minsi %jit3A_419, %max3A_420 : i32
        %get3A_422 = arith.index_cast %min3A_421 : i32 to index
        %get3A_423 = tpu.vector_load %arg14[%get3A_422] {strides = array<i32>} : memref<528xi32, #tpu.memory_space<vmem>>, vector<16xi32>,
        %slice3A_424 = vector.extract_strided_slice %get3A_423 {offsets = [0], sizes = [1], strides = [1]} : vector<16xi32> to vector<1xi32>
        %squeeze3A_425 = vector.extract %slice3A_424[0] : i32 from vector<1xi32>
        %broadcast_in_dim3A_426 = vector.broadcast %squeeze3A_425 : i32 to vector<16xi32>
        %add3A_427 = arith.constant 0 : i32
        %add3A_428 = vector.broadcast %add3A_427 : i32 to vector<16xi32>
        %add3A_429 = arith.addi %add3A_428, %iota3A : vector<16xi32>
        %gather3A = tpu.vector_load_idx %arg17[%broadcast_in_dim3A, %add3A_429, %broadcast_in_dim3A_416] : memref<6x64x128xf32, #tpu.memory_space<vmem>>[vector<16xi32>, vector<16xi32>, vector<16xi32>], vector<16xf32>,
        %add3A_430 = arith.addi %broadcast_in_dim3A_426, %add3A_429 : vector<16xi32>
        %gather3A_431 = tpu.vector_load_idx %arg18[%broadcast_in_dim3A_417, %add3A_430] : memref<512x128xf32, #tpu.memory_space<vmem>>[vector<16xi32>, vector<16xi32>], vector<16xf32>,
        %mul3A_432 = arith.mulf %gather3A, %gather3A_431 : vector<16xf32>
        %swap3A = arith.index_cast %while3A_407 : i32 to index
        %swap3A_433 = arith.constant 0 : index
        %swap3A_434 = tpu.vector_load %arg18[%swap3A, %swap3A_433] {strides = array<i32>} : memref<512x128xf32, #tpu.memory_space<vmem>>, vector<16xf32>,
        tpu.vector_store %arg18[%swap3A, %swap3A_433], %mul3A_432 {strides = array<i32>} : memref<512x128xf32, #tpu.memory_space<vmem>>, vector<16xf32>,
        %add3A_435 = arith.constant 16 : i32
        %add3A_436 = vector.broadcast %add3A_435 : i32 to vector<16xi32>
        %add3A_437 = arith.addi %add3A_436, %iota3A : vector<16xi32>
        %gather3A_438 = tpu.vector_load_idx %arg17[%broadcast_in_dim3A, %add3A_437, %broadcast_in_dim3A_416] : memref<6x64x128xf32, #tpu.memory_space<vmem>>[vector<16xi32>, vector<16xi32>, vector<16xi32>], vector<16xf32>,
        %add3A_439 = arith.addi %broadcast_in_dim3A_426, %add3A_437 : vector<16xi32>
        %gather3A_440 = tpu.vector_load_idx %arg18[%broadcast_in_dim3A_417, %add3A_439] : memref<512x128xf32, #tpu.memory_space<vmem>>[vector<16xi32>, vector<16xi32>], vector<16xf32>,
        %mul3A_441 = arith.mulf %gather3A_438, %gather3A_440 : vector<16xf32>
        %swap3A_442 = arith.index_cast %while3A_407 : i32 to index
        %swap3A_443 = arith.constant 16 : index
        %swap3A_444 = tpu.vector_load %arg18[%swap3A_442, %swap3A_443] {strides = array<i32>} : memref<512x128xf32, #tpu.memory_space<vmem>>, vector<16xf32>,
        tpu.vector_store %arg18[%swap3A_442, %swap3A_443], %mul3A_441 {strides = array<i32>} : memref<512x128xf32, #tpu.memory_space<vmem>>, vector<16xf32>,
        %add3A_445 = arith.constant 32 : i32
        %add3A_446 = vector.broadcast %add3A_445 : i32 to vector<16xi32>
        %add3A_447 = arith.addi %add3A_446, %iota3A : vector<16xi32>
        %gather3A_448 = tpu.vector_load_idx %arg17[%broadcast_in_dim3A, %add3A_447, %broadcast_in_dim3A_416] : memref<6x64x128xf32, #tpu.memory_space<vmem>>[vector<16xi32>, vector<16xi32>, vector<16xi32>], vector<16xf32>,
        %add3A_449 = arith.addi %broadcast_in_dim3A_426, %add3A_447 : vector<16xi32>
        %gather3A_450 = tpu.vector_load_idx %arg18[%broadcast_in_dim3A_417, %add3A_449] : memref<512x128xf32, #tpu.memory_space<vmem>>[vector<16xi32>, vector<16xi32>], vector<16xf32>,
        %mul3A_451 = arith.mulf %gather3A_448, %gather3A_450 : vector<16xf32>
        %swap3A_452 = arith.index_cast %while3A_407 : i32 to index
        %swap3A_453 = arith.constant 32 : index
        %swap3A_454 = tpu.vector_load %arg18[%swap3A_452, %swap3A_453] {strides = array<i32>} : memref<512x128xf32, #tpu.memory_space<vmem>>, vector<16xf32>,
        tpu.vector_store %arg18[%swap3A_452, %swap3A_453], %mul3A_451 {strides = array<i32>} : memref<512x128xf32, #tpu.memory_space<vmem>>, vector<16xf32>,
        %add3A_455 = arith.constant 48 : i32
        %add3A_456 = vector.broadcast %add3A_455 : i32 to vector<16xi32>
        %add3A_457 = arith.addi %add3A_456, %iota3A : vector<16xi32>
        %gather3A_458 = tpu.vector_load_idx %arg17[%broadcast_in_dim3A, %add3A_457, %broadcast_in_dim3A_416] : memref<6x64x128xf32, #tpu.memory_space<vmem>>[vector<16xi32>, vector<16xi32>, vector<16xi32>], vector<16xf32>,
        %add3A_459 = arith.addi %broadcast_in_dim3A_426, %add3A_457 : vector<16xi32>
        %gather3A_460 = tpu.vector_load_idx %arg18[%broadcast_in_dim3A_417, %add3A_459] : memref<512x128xf32, #tpu.memory_space<vmem>>[vector<16xi32>, vector<16xi32>], vector<16xf32>,
        %mul3A_461 = arith.mulf %gather3A_458, %gather3A_460 : vector<16xf32>
        %swap3A_462 = arith.index_cast %while3A_407 : i32 to index
        %swap3A_463 = arith.constant 48 : index
        %swap3A_464 = tpu.vector_load %arg18[%swap3A_462, %swap3A_463] {strides = array<i32>} : memref<512x128xf32, #tpu.memory_space<vmem>>, vector<16xf32>,
        tpu.vector_store %arg18[%swap3A_462, %swap3A_463], %mul3A_461 {strides = array<i32>} : memref<512x128xf32, #tpu.memory_space<vmem>>, vector<16xf32>,
      }
      %while3A_373 = arith.constant 1 : i32
      scf.for %while3A_407 = %while3A_371 to %while3A_367 step %while3A_373  : i32 {
        %jit3A_408 = arith.constant 0 : i32
        %jit3A_409 = arith.constant 511 : i32
        %max3A_410 = arith.maxsi %jit3A_408, %while3A_407 : i32
        %min3A_411 = arith.minsi %jit3A_409, %max3A_410 : i32
        %get3A_412 = arith.index_cast %min3A_411 : i32 to index
        %get3A_413 = tpu.vector_load %arg12[%get3A_412] {strides = array<i32>} : memref<528xi32, #tpu.memory_space<vmem>>, vector<16xi32>,
        %slice3A_414 = vector.extract_strided_slice %get3A_413 {offsets = [0], sizes = [1], strides = [1]} : vector<16xi32> to vector<1xi32>
        %squeeze3A_415 = vector.extract %slice3A_414[0] : i32 from vector<1xi32>
        %broadcast_in_dim3A_416 = vector.broadcast %squeeze3A_415 : i32 to vector<16xi32>
        %broadcast_in_dim3A_417 = vector.broadcast %while3A_407 : i32 to vector<16xi32>
        %jit3A_418 = arith.constant 0 : i32
        %jit3A_419 = arith.constant 511 : i32
        %max3A_420 = arith.maxsi %jit3A_418, %while3A_407 : i32
        %min3A_421 = arith.minsi %jit3A_419, %max3A_420 : i32
        %get3A_422 = arith.index_cast %min3A_421 : i32 to index
        %get3A_423 = tpu.vector_load %arg14[%get3A_422] {strides = array<i32>} : memref<528xi32, #tpu.memory_space<vmem>>, vector<16xi32>,
        %slice3A_424 = vector.extract_strided_slice %get3A_423 {offsets = [0], sizes = [1], strides = [1]} : vector<16xi32> to vector<1xi32>
        %squeeze3A_425 = vector.extract %slice3A_424[0] : i32 from vector<1xi32>
        %broadcast_in_dim3A_426 = vector.broadcast %squeeze3A_425 : i32 to vector<16xi32>
        %add3A_427 = arith.constant 0 : i32
        %add3A_428 = vector.broadcast %add3A_427 : i32 to vector<16xi32>
        %add3A_429 = arith.addi %add3A_428, %iota3A : vector<16xi32>
        %gather3A = tpu.vector_load_idx %arg17[%broadcast_in_dim3A, %add3A_429, %broadcast_in_dim3A_416] : memref<6x64x128xf32, #tpu.memory_space<vmem>>[vector<16xi32>, vector<16xi32>, vector<16xi32>], vector<16xf32>,
        %add3A_430 = arith.addi %broadcast_in_dim3A_426, %add3A_429 : vector<16xi32>
        %gather3A_431 = tpu.vector_load_idx %arg18[%broadcast_in_dim3A_417, %add3A_430] : memref<512x128xf32, #tpu.memory_space<vmem>>[vector<16xi32>, vector<16xi32>], vector<16xf32>,
        %mul3A_432 = arith.mulf %gather3A, %gather3A_431 : vector<16xf32>
        %swap3A = arith.index_cast %while3A_407 : i32 to index
        %swap3A_433 = arith.constant 0 : index
        %swap3A_434 = tpu.vector_load %arg18[%swap3A, %swap3A_433] {strides = array<i32>} : memref<512x128xf32, #tpu.memory_space<vmem>>, vector<16xf32>,
        tpu.vector_store %arg18[%swap3A, %swap3A_433], %mul3A_432 {strides = array<i32>} : memref<512x128xf32, #tpu.memory_space<vmem>>, vector<16xf32>,
        %add3A_435 = arith.constant 16 : i32
        %add3A_436 = vector.broadcast %add3A_435 : i32 to vector<16xi32>
        %add3A_437 = arith.addi %add3A_436, %iota3A : vector<16xi32>
        %gather3A_438 = tpu.vector_load_idx %arg17[%broadcast_in_dim3A, %add3A_437, %broadcast_in_dim3A_416] : memref<6x64x128xf32, #tpu.memory_space<vmem>>[vector<16xi32>, vector<16xi32>, vector<16xi32>], vector<16xf32>,
        %add3A_439 = arith.addi %broadcast_in_dim3A_426, %add3A_437 : vector<16xi32>
        %gather3A_440 = tpu.vector_load_idx %arg18[%broadcast_in_dim3A_417, %add3A_439] : memref<512x128xf32, #tpu.memory_space<vmem>>[vector<16xi32>, vector<16xi32>], vector<16xf32>,
        %mul3A_441 = arith.mulf %gather3A_438, %gather3A_440 : vector<16xf32>
        %swap3A_442 = arith.index_cast %while3A_407 : i32 to index
        %swap3A_443 = arith.constant 16 : index
        %swap3A_444 = tpu.vector_load %arg18[%swap3A_442, %swap3A_443] {strides = array<i32>} : memref<512x128xf32, #tpu.memory_space<vmem>>, vector<16xf32>,
        tpu.vector_store %arg18[%swap3A_442, %swap3A_443], %mul3A_441 {strides = array<i32>} : memref<512x128xf32, #tpu.memory_space<vmem>>, vector<16xf32>,
        %add3A_445 = arith.constant 32 : i32
        %add3A_446 = vector.broadcast %add3A_445 : i32 to vector<16xi32>
        %add3A_447 = arith.addi %add3A_446, %iota3A : vector<16xi32>
        %gather3A_448 = tpu.vector_load_idx %arg17[%broadcast_in_dim3A, %add3A_447, %broadcast_in_dim3A_416] : memref<6x64x128xf32, #tpu.memory_space<vmem>>[vector<16xi32>, vector<16xi32>, vector<16xi32>], vector<16xf32>,
        %add3A_449 = arith.addi %broadcast_in_dim3A_426, %add3A_447 : vector<16xi32>
        %gather3A_450 = tpu.vector_load_idx %arg18[%broadcast_in_dim3A_417, %add3A_449] : memref<512x128xf32, #tpu.memory_space<vmem>>[vector<16xi32>, vector<16xi32>], vector<16xf32>,
        %mul3A_451 = arith.mulf %gather3A_448, %gather3A_450 : vector<16xf32>
        %swap3A_452 = arith.index_cast %while3A_407 : i32 to index
        %swap3A_453 = arith.constant 32 : index
        %swap3A_454 = tpu.vector_load %arg18[%swap3A_452, %swap3A_453] {strides = array<i32>} : memref<512x128xf32, #tpu.memory_space<vmem>>, vector<16xf32>,
        tpu.vector_store %arg18[%swap3A_452, %swap3A_453], %mul3A_451 {strides = array<i32>} : memref<512x128xf32, #tpu.memory_space<vmem>>, vector<16xf32>,
        %add3A_455 = arith.constant 48 : i32
        %add3A_456 = vector.broadcast %add3A_455 : i32 to vector<16xi32>
        %add3A_457 = arith.addi %add3A_456, %iota3A : vector<16xi32>
        %gather3A_458 = tpu.vector_load_idx %arg17[%broadcast_in_dim3A, %add3A_457, %broadcast_in_dim3A_416] : memref<6x64x128xf32, #tpu.memory_space<vmem>>[vector<16xi32>, vector<16xi32>, vector<16xi32>], vector<16xf32>,
        %add3A_459 = arith.addi %broadcast_in_dim3A_426, %add3A_457 : vector<16xi32>
        %gather3A_460 = tpu.vector_load_idx %arg18[%broadcast_in_dim3A_417, %add3A_459] : memref<512x128xf32, #tpu.memory_space<vmem>>[vector<16xi32>, vector<16xi32>], vector<16xf32>,
        %mul3A_461 = arith.mulf %gather3A_458, %gather3A_460 : vector<16xf32>
        %swap3A_462 = arith.index_cast %while3A_407 : i32 to index
        %swap3A_463 = arith.constant 48 : index
        %swap3A_464 = tpu.vector_load %arg18[%swap3A_462, %swap3A_463] {strides = array<i32>} : memref<512x128xf32, #tpu.memory_space<vmem>>, vector<16xf32>,
        tpu.vector_store %arg18[%swap3A_462, %swap3A_463], %mul3A_461 {strides = array<i32>} : memref<512x128xf32, #tpu.memory_space<vmem>>, vector<16xf32>,
      }
      %sub3A_374 = arith.subi %while3A_338, %mul3A_2 : i32
      %jit3A_375 = arith.constant 0 : i32
      %jit3A_376 = arith.constant 511 : i32
      %max3A_377 = arith.maxsi %jit3A_375, %sub3A_374 : i32
      %min3A_378 = arith.minsi %jit3A_376, %max3A_377 : i32
      %get3A_379 = arith.index_cast %min3A_378 : i32 to index
      %get3A_380 = tpu.vector_load %arg11[%get3A_379] {strides = array<i32>} : memref<528xi32, #tpu.memory_space<vmem>>, vector<16xi32>,
      %slice3A_381 = vector.extract_strided_slice %get3A_380 {offsets = [0], sizes = [1], strides = [1]} : vector<16xi32> to vector<1xi32>
      %squeeze3A_382 = vector.extract %slice3A_381[0] : i32 from vector<1xi32>
      %ge3A_383 = arith.constant 0 : i32
      %ge3A_384 = arith.cmpi sge, %sub3A_374, %ge3A_383 : i32
      %lt3A_385 = arith.constant 512 : i32
      %lt3A_386 = arith.cmpi slt, %sub3A_374, %lt3A_385 : i32
      %and3A_387 = arith.andi %ge3A_384, %lt3A_386 : i1
      %convert_element_type3A_388 = arith.extui %and3A_387 : i1 to i32
      %cond3A_389 = arith.constant 0 : i32
      %cond3A_390 = arith.cmpi ne, %convert_element_type3A_388, %cond3A_389 : i32
      scf.if %cond3A_390 {
        %mul3A_407 = arith.constant 128 : i32
        %mul3A_408 = arith.muli %squeeze3A_382, %mul3A_407 : i32
        %multiple_of3A = tpu.assume_multiple %mul3A_408, 128 : i32
        %dma_start3A_409 = arith.constant 0 : i32
        %dma_start3A_410 = arith.constant 0 : i32
        %dma_start3A_411 = tpu.memref_slice %arg17[%rem3A_339, %dma_start3A_409, %dma_start3A_410] : memref<6x64x128xf32, #tpu.memory_space<vmem>> -> memref<1x64x128xf32, #tpu.memory_space<vmem>>
        %dma_start3A_412 = tpu.memref_squeeze %dma_start3A_411 : memref<1x64x128xf32, #tpu.memory_space<vmem>> -> memref<64x128xf32, #tpu.memory_space<vmem>>
        %dma_start3A_413 = arith.constant 0 : i32
        %dma_start3A_414 = tpu.memref_slice %arg9[%dma_start3A_413, %multiple_of3A] : memref<64x1000000xf32, #tpu.memory_space<hbm>> -> memref<64x128xf32, #tpu.memory_space<hbm>>
        %dma_start3A_415 = arith.constant 0 : i32
        %dma_start3A_416 = arith.constant 0 : i32
        %dma_start3A_417 = tpu.memref_slice %arg17[%rem3A_339, %dma_start3A_415, %dma_start3A_416] : memref<6x64x128xf32, #tpu.memory_space<vmem>> -> memref<1x64x128xf32, #tpu.memory_space<vmem>>
        %dma_start3A_418 = tpu.memref_squeeze %dma_start3A_417 : memref<1x64x128xf32, #tpu.memory_space<vmem>> -> memref<64x128xf32, #tpu.memory_space<vmem>>
        %dma_start3A_419 = arith.constant 0 : i32
        %dma_start3A_420 = tpu.memref_slice %arg9[%dma_start3A_419, %multiple_of3A] : memref<64x1000000xf32, #tpu.memory_space<hbm>> -> memref<64x128xf32, #tpu.memory_space<hbm>>
        tpu.enqueue_dma source(%dma_start3A_420 : memref<64x128xf32, #tpu.memory_space<hbm>>) target(%dma_start3A_418 : memref<64x128xf32, #tpu.memory_space<vmem>>) target_semaphore(%arg19 : memref<!tpu.dma_semaphore, #tpu.memory_space<semaphore_mem>>)
      } else {
      }
      %add3A_391 = arith.constant 1 : i32
      %add3A_392 = arith.addi %while3A_337, %add3A_391 : i32
      %sub3A_393 = arith.subi %while3A_338, %mul3A_2 : i32
      %jit3A_394 = arith.constant 0 : i32
      %jit3A_395 = arith.constant 511 : i32
      %max3A_396 = arith.maxsi %jit3A_394, %sub3A_393 : i32
      %min3A_397 = arith.minsi %jit3A_395, %max3A_396 : i32
      %get3A_398 = arith.index_cast %min3A_397 : i32 to index
      %get3A_399 = tpu.vector_load %arg13[%get3A_398] {strides = array<i32>} : memref<528xi32, #tpu.memory_space<vmem>>, vector<16xi32>,
      %slice3A_400 = vector.extract_strided_slice %get3A_399 {offsets = [0], sizes = [1], strides = [1]} : vector<16xi32> to vector<1xi32>
      %squeeze3A_401 = vector.extract %slice3A_400[0] : i32 from vector<1xi32>
      %sub3A_402 = arith.subi %while3A_338, %mul3A_2 : i32
      %lt3A_403 = arith.constant 512 : i32
      %lt3A_404 = arith.cmpi slt, %sub3A_402, %lt3A_403 : i32
      %jit3A_405 = arith.constant 16384 : i32
      %select_n3A_406 = arith.select %lt3A_404, %squeeze3A_401, %jit3A_405 : i32
      scf.yield %min3A_364, %add3A_392, %select_n3A_406 : i32, i32, i32
    }
    %dma_start3A_256 = arith.constant 0 : i32
    %dma_start3A_257 = arith.constant 0 : i32
    %dma_start3A_258 = arith.constant 0 : i32
    %dma_start3A_259 = tpu.memref_slice %arg18[%dma_start3A_257, %dma_start3A_258] : memref<512x128xf32, #tpu.memory_space<vmem>> -> memref<128x128xf32, #tpu.memory_space<vmem>>
    %dma_start3A_260 = arith.constant 0 : i32
    %dma_start3A_261 = tpu.memref_slice %arg16[%dma_start3A_256, %dma_start3A_260] : memref<4x128xi32, #tpu.memory_space<vmem>> -> memref<1x128xi32, #tpu.memory_space<vmem>>
    %dma_start3A_262 = tpu.memref_squeeze %dma_start3A_261 : memref<1x128xi32, #tpu.memory_space<vmem>> -> memref<128xi32, #tpu.memory_space<vmem>>
    %dma_start3A_263 = arith.constant 0 : i32
    %dma_start3A_264 = arith.constant 0 : i32
    %dma_start3A_265 = tpu.memref_slice %arg10[%dma_start3A_263, %dma_start3A_264] : memref<16384x128xf32, #tpu.memory_space<hbm>> -> memref<16384x128xf32, #tpu.memory_space<hbm>>
    tpu.enqueue_indirect_dma source(%dma_start3A_259 : memref<128x128xf32, #tpu.memory_space<vmem>>) target(%dma_start3A_265 : memref<16384x128xf32, #tpu.memory_space<hbm>>) offsets(%dma_start3A_262 : memref<128xi32, #tpu.memory_space<vmem>>) semaphore(%arg20 : memref<!tpu.dma_semaphore, #tpu.memory_space<semaphore_mem>>)
    %dma_start3A_266 = arith.constant 1 : i32
    %dma_start3A_267 = arith.constant 128 : i32
    %dma_start3A_268 = arith.constant 0 : i32
    %dma_start3A_269 = tpu.memref_slice %arg18[%dma_start3A_267, %dma_start3A_268] : memref<512x128xf32, #tpu.memory_space<vmem>> -> memref<128x128xf32, #tpu.memory_space<vmem>>
    %dma_start3A_270 = arith.constant 0 : i32
    %dma_start3A_271 = tpu.memref_slice %arg16[%dma_start3A_266, %dma_start3A_270] : memref<4x128xi32, #tpu.memory_space<vmem>> -> memref<1x128xi32, #tpu.memory_space<vmem>>
    %dma_start3A_272 = tpu.memref_squeeze %dma_start3A_271 : memref<1x128xi32, #tpu.memory_space<vmem>> -> memref<128xi32, #tpu.memory_space<vmem>>
    %dma_start3A_273 = arith.constant 0 : i32
    %dma_start3A_274 = arith.constant 0 : i32
    %dma_start3A_275 = tpu.memref_slice %arg10[%dma_start3A_273, %dma_start3A_274] : memref<16384x128xf32, #tpu.memory_space<hbm>> -> memref<16384x128xf32, #tpu.memory_space<hbm>>
    tpu.enqueue_indirect_dma source(%dma_start3A_269 : memref<128x128xf32, #tpu.memory_space<vmem>>) target(%dma_start3A_275 : memref<16384x128xf32, #tpu.memory_space<hbm>>) offsets(%dma_start3A_272 : memref<128xi32, #tpu.memory_space<vmem>>) semaphore(%arg20 : memref<!tpu.dma_semaphore, #tpu.memory_space<semaphore_mem>>)
    %dma_start3A_276 = arith.constant 2 : i32
    %dma_start3A_277 = arith.constant 256 : i32
    %dma_start3A_278 = arith.constant 0 : i32
    %dma_start3A_279 = tpu.memref_slice %arg18[%dma_start3A_277, %dma_start3A_278] : memref<512x128xf32, #tpu.memory_space<vmem>> -> memref<128x128xf32, #tpu.memory_space<vmem>>
    %dma_start3A_280 = arith.constant 0 : i32
    %dma_start3A_281 = tpu.memref_slice %arg16[%dma_start3A_276, %dma_start3A_280] : memref<4x128xi32, #tpu.memory_space<vmem>> -> memref<1x128xi32, #tpu.memory_space<vmem>>
    %dma_start3A_282 = tpu.memref_squeeze %dma_start3A_281 : memref<1x128xi32, #tpu.memory_space<vmem>> -> memref<128xi32, #tpu.memory_space<vmem>>
    %dma_start3A_283 = arith.constant 0 : i32
    %dma_start3A_284 = arith.constant 0 : i32
    %dma_start3A_285 = tpu.memref_slice %arg10[%dma_start3A_283, %dma_start3A_284] : memref<16384x128xf32, #tpu.memory_space<hbm>> -> memref<16384x128xf32, #tpu.memory_space<hbm>>
    tpu.enqueue_indirect_dma source(%dma_start3A_279 : memref<128x128xf32, #tpu.memory_space<vmem>>) target(%dma_start3A_285 : memref<16384x128xf32, #tpu.memory_space<hbm>>) offsets(%dma_start3A_282 : memref<128xi32, #tpu.memory_space<vmem>>) semaphore(%arg20 : memref<!tpu.dma_semaphore, #tpu.memory_space<semaphore_mem>>)
    %dma_start3A_286 = arith.constant 3 : i32
    %dma_start3A_287 = arith.constant 384 : i32
    %dma_start3A_288 = arith.constant 0 : i32
    %dma_start3A_289 = tpu.memref_slice %arg18[%dma_start3A_287, %dma_start3A_288] : memref<512x128xf32, #tpu.memory_space<vmem>> -> memref<128x128xf32, #tpu.memory_space<vmem>>
    %dma_start3A_290 = arith.constant 0 : i32
    %dma_start3A_291 = tpu.memref_slice %arg16[%dma_start3A_286, %dma_start3A_290] : memref<4x128xi32, #tpu.memory_space<vmem>> -> memref<1x128xi32, #tpu.memory_space<vmem>>
    %dma_start3A_292 = tpu.memref_squeeze %dma_start3A_291 : memref<1x128xi32, #tpu.memory_space<vmem>> -> memref<128xi32, #tpu.memory_space<vmem>>
    %dma_start3A_293 = arith.constant 0 : i32
    %dma_start3A_294 = arith.constant 0 : i32
    %dma_start3A_295 = tpu.memref_slice %arg10[%dma_start3A_293, %dma_start3A_294] : memref<16384x128xf32, #tpu.memory_space<hbm>> -> memref<16384x128xf32, #tpu.memory_space<hbm>>
    tpu.enqueue_indirect_dma source(%dma_start3A_289 : memref<128x128xf32, #tpu.memory_space<vmem>>) target(%dma_start3A_295 : memref<16384x128xf32, #tpu.memory_space<hbm>>) offsets(%dma_start3A_292 : memref<128xi32, #tpu.memory_space<vmem>>) semaphore(%arg20 : memref<!tpu.dma_semaphore, #tpu.memory_space<semaphore_mem>>)
    %dma_wait3A_296 = arith.constant 0 : i32
    %dma_wait3A_297 = arith.constant 0 : i32
    %dma_wait3A_298 = arith.constant 0 : i32
    %dma_wait3A_299 = tpu.memref_slice %arg18[%dma_wait3A_297, %dma_wait3A_298] : memref<512x128xf32, #tpu.memory_space<vmem>> -> memref<128x128xf32, #tpu.memory_space<vmem>>
    %dma_wait3A_300 = arith.constant 0 : i32
    %dma_wait3A_301 = tpu.memref_slice %arg16[%dma_wait3A_296, %dma_wait3A_300] : memref<4x128xi32, #tpu.memory_space<vmem>> -> memref<1x128xi32, #tpu.memory_space<vmem>>
    %dma_wait3A_302 = tpu.memref_squeeze %dma_wait3A_301 : memref<1x128xi32, #tpu.memory_space<vmem>> -> memref<128xi32, #tpu.memory_space<vmem>>
    %dma_wait3A_303 = arith.constant 0 : i32
    %dma_wait3A_304 = arith.constant 0 : i32
    %dma_wait3A_305 = tpu.memref_slice %arg10[%dma_wait3A_303, %dma_wait3A_304] : memref<16384x128xf32, #tpu.memory_space<hbm>> -> memref<16384x128xf32, #tpu.memory_space<hbm>>
    tpu.wait_indirect_dma semaphore(%arg20 : memref<!tpu.dma_semaphore, #tpu.memory_space<semaphore_mem>>) src(%dma_wait3A_299 : memref<128x128xf32, #tpu.memory_space<vmem>>) dst(%dma_wait3A_305 : memref<16384x128xf32, #tpu.memory_space<hbm>>)
    %dma_wait3A_306 = arith.constant 1 : i32
    %dma_wait3A_307 = arith.constant 128 : i32
    %dma_wait3A_308 = arith.constant 0 : i32
    %dma_wait3A_309 = tpu.memref_slice %arg18[%dma_wait3A_307, %dma_wait3A_308] : memref<512x128xf32, #tpu.memory_space<vmem>> -> memref<128x128xf32, #tpu.memory_space<vmem>>
    %dma_wait3A_310 = arith.constant 0 : i32
    %dma_wait3A_311 = tpu.memref_slice %arg16[%dma_wait3A_306, %dma_wait3A_310] : memref<4x128xi32, #tpu.memory_space<vmem>> -> memref<1x128xi32, #tpu.memory_space<vmem>>
    %dma_wait3A_312 = tpu.memref_squeeze %dma_wait3A_311 : memref<1x128xi32, #tpu.memory_space<vmem>> -> memref<128xi32, #tpu.memory_space<vmem>>
    %dma_wait3A_313 = arith.constant 0 : i32
    %dma_wait3A_314 = arith.constant 0 : i32
    %dma_wait3A_315 = tpu.memref_slice %arg10[%dma_wait3A_313, %dma_wait3A_314] : memref<16384x128xf32, #tpu.memory_space<hbm>> -> memref<16384x128xf32, #tpu.memory_space<hbm>>
    tpu.wait_indirect_dma semaphore(%arg20 : memref<!tpu.dma_semaphore, #tpu.memory_space<semaphore_mem>>) src(%dma_wait3A_309 : memref<128x128xf32, #tpu.memory_space<vmem>>) dst(%dma_wait3A_315 : memref<16384x128xf32, #tpu.memory_space<hbm>>)
    %dma_wait3A_316 = arith.constant 2 : i32
    %dma_wait3A_317 = arith.constant 256 : i32
    %dma_wait3A_318 = arith.constant 0 : i32
    %dma_wait3A_319 = tpu.memref_slice %arg18[%dma_wait3A_317, %dma_wait3A_318] : memref<512x128xf32, #tpu.memory_space<vmem>> -> memref<128x128xf32, #tpu.memory_space<vmem>>
    %dma_wait3A_320 = arith.constant 0 : i32
    %dma_wait3A_321 = tpu.memref_slice %arg16[%dma_wait3A_316, %dma_wait3A_320] : memref<4x128xi32, #tpu.memory_space<vmem>> -> memref<1x128xi32, #tpu.memory_space<vmem>>
    %dma_wait3A_322 = tpu.memref_squeeze %dma_wait3A_321 : memref<1x128xi32, #tpu.memory_space<vmem>> -> memref<128xi32, #tpu.memory_space<vmem>>
    %dma_wait3A_323 = arith.constant 0 : i32
    %dma_wait3A_324 = arith.constant 0 : i32
    %dma_wait3A_325 = tpu.memref_slice %arg10[%dma_wait3A_323, %dma_wait3A_324] : memref<16384x128xf32, #tpu.memory_space<hbm>> -> memref<16384x128xf32, #tpu.memory_space<hbm>>
    tpu.wait_indirect_dma semaphore(%arg20 : memref<!tpu.dma_semaphore, #tpu.memory_space<semaphore_mem>>) src(%dma_wait3A_319 : memref<128x128xf32, #tpu.memory_space<vmem>>) dst(%dma_wait3A_325 : memref<16384x128xf32, #tpu.memory_space<hbm>>)
    %dma_wait3A_326 = arith.constant 3 : i32
    %dma_wait3A_327 = arith.constant 384 : i32
    %dma_wait3A_328 = arith.constant 0 : i32
    %dma_wait3A_329 = tpu.memref_slice %arg18[%dma_wait3A_327, %dma_wait3A_328] : memref<512x128xf32, #tpu.memory_space<vmem>> -> memref<128x128xf32, #tpu.memory_space<vmem>>
    %dma_wait3A_330 = arith.constant 0 : i32
    %dma_wait3A_331 = tpu.memref_slice %arg16[%dma_wait3A_326, %dma_wait3A_330] : memref<4x128xi32, #tpu.memory_space<vmem>> -> memref<1x128xi32, #tpu.memory_space<vmem>>
    %dma_wait3A_332 = tpu.memref_squeeze %dma_wait3A_331 : memref<1x128xi32, #tpu.memory_space<vmem>> -> memref<128xi32, #tpu.memory_space<vmem>>
    %dma_wait3A_333 = arith.constant 0 : i32
    %dma_wait3A_334 = arith.constant 0 : i32
    %dma_wait3A_335 = tpu.memref_slice %arg10[%dma_wait3A_333, %dma_wait3A_334] : memref<16384x128xf32, #tpu.memory_space<hbm>> -> memref<16384x128xf32, #tpu.memory_space<hbm>>
    tpu.wait_indirect_dma semaphore(%arg20 : memref<!tpu.dma_semaphore, #tpu.memory_space<semaphore_mem>>) src(%dma_wait3A_329 : memref<128x128xf32, #tpu.memory_space<vmem>>) dst(%dma_wait3A_335 : memref<16384x128xf32, #tpu.memory_space<hbm>>)
    return
  }
}

</mosaic_0001>

<sc_bundles>
// kernel: kernel.3.cloned.1.call-start
scs
__scs_entry_jumppad:
0x0: {  	(pc) =	sbr.rel $0x88, $3  }
0x1: {  	(tag) =	ssettag $0x0;
	lr =	simm.s32 $0x1  }
0x2: {  	[smem:$0x3F9E] =	sst lr;
	_ =	strace $0xD0000000  }
0x3: {  	_ = 	snop  }
0x4: {  	_ = 	snop  }
0x5: {  	_ = 	snop  }
0x6: {  	_ = 	snop  }
0x7: {  	_ = 	snop  }
__scs_overlays_trampoline_lowered:
0x8: {  	[smem:$0x3FAD] =	sst s0  }
0x9: {  	[smem:$0x3FAE] =	sst s1  }
0xa: {  	[smem:$0x3FAF] =	sst s2  }
0xb: {  	[smem:$0x3FB0] =	sst s3  }
0xc: {  	[smem:$0x3FB1] =	sst s4  }
0xd: {  	[smem:$0x3FB2] =	sst s5  }
0xe: {  	[smem:$0x3FB3] =	sst s6  }
0xf: {  	[smem:$0x3FB4] =	sst s7  }
0x10: {  	[smem:$0x3FB5] =	sst s8  }
0x11: {  	[smem:$0x3FB6] =	sst s9;
	s0 =	simm.s32 @!p0 $0x0  }
0x12: {  	s1 =	sld [smem:$0x3F9C];
	s0 =	simm.s32 @p0 $0x1  }
0x13: {  	[smem:$0x3FB7] =	sst s0;
	s0 =	simm.s32 @!p1 $0x0  }
0x14: {  	s2 =	sld [smem:$0x3F9B];
	s0 =	simm.s32 @p1 $0x1  }
0x15: {  	[smem:$0x3FB8] =	sst s0;
	s0 =	simm.s32 @!p2 $0x0  }
0x16: {  	s3 =	sld [smem:$0x3FDB];
	s0 =	simm.s32 @p2 $0x1  }
0x17: {  	s4 =	simm.s32 $0x1BF5;
	[smem:$0x3FBA] =	sst s0  }
0x18: {  	s0 =	sld [smem:$0x3F9D];
	_ =	swait.ge [sflag:s4], $0x0  }
0x19: {  	s7 =	sld [smem:$0x3F9E]  }
0x1a: {  	s8 =	sadd.s32 $0xFFFFE003, lr  }
0x1b: {  	s9 =	sadd.s32 $0xFFFFFEF7, lr;
	s5 =	simm.s32 $0xFFFFFFFF;
	p2 =	slt.u32 s8, $0xFFFFF086  }
0x1c: {  	p1 =	slt.u32 s9, $0xF7A;
	s5 =	simm.s32 @!p2 $0x0  }
0x1d: {  	s5 =	simm.s32 @p1 $0x1;
	p0 =	seq.s32 s7, s2  }
0x1e: {  	s7 =	smul.u32 @!p0 $0xF7A, s2;
	p2 =	seq.s32 @!p0 s5, $0x0  }
0x1f: {  	s9 =	smul.u32 $0xF7A, s1;
	s8 =	simm.s32 @!p0 $0x1BF5;
	p2 =	por !p2, p0  }
0x20: {  	[sflag:s8] =	ssyncset.s32 @!p0 $0xFFFFF086;
	s6 =	sadd.s32 @!p0 s3, s7;
	s7 =	simm.s32 @!p0 $0x108  }
0x21: {  	s3 =	sadd.s32 s3, s9;
	s6 =	sadd.s32 @!p0 $0x88, s6;
	s7 =	simm.s32 @p2 $0x1082  }
0x22: {  	[simem:s7], [sflag:s8] =	dma.local @!p0 [hbm:s6], $0xF7A  }
0x23: {  	s9 =	sor.u32 $0xD0000000, s2;
	s6 =	simm.s32 $0x108;
	_ =	swait.ge @!p0 [sflag:s8], $0x0  }
0x24: {  	s3 =	sadd.s32 $0x88, s3;
	s6 =	simm.s32 @!p1 $0x1082;
	[sflag:s4] =	ssyncset.s32 $0xFFFFF086  }
0x25: {  	[simem:s6], [sflag:s4] =	dma.local [hbm:s3], $0xF7A  }
0x26: {  	[smem:$0x3F9E] =	sst s1;
	(tag) =	ssettag s2;
	_ =	strace s9  }
0x27: {  	s1 =	sld [smem:$0x3FAE]  }
0x28: {  	s2 =	sld [smem:$0x3FAF]  }
0x29: {  	s4 =	sld [smem:$0x3FB1]  }
0x2a: {  	p0 =	seq.s32 s5, $0x0;
	s5 =	sld [smem:$0x3FB2]  }
0x2b: {  	s6 =	sld [smem:$0x3FB3]  }
0x2c: {  	s7 =	sld [smem:$0x3FB4]  }
0x2d: {  	s3 =	simm.s32 $0x108;
	s8 =	sld [smem:$0x3FB5]  }
0x2e: {  	s3 =	simm.s32 @!p0 $0x1082;
	s9 =	sld [smem:$0x3FB6]  }
0x2f: {  	lr =	sadd.s32 s0, s3;
	s0 =	sld [smem:$0x3FAD]  }
0x30: {  	s3 =	sld [smem:$0x3FB0]  }
0x31: {  	[smem:$0x3FB9] =	sst s10  }
0x32: {  	s10 =	sld [smem:$0x3FB7];
	_ =	sdelay $0x3  }
0x33: {  	p0 =	seq.s32 s10, $0x1;
	s10 =	sld [smem:$0x3FB9];
	_ =	sdelay $0x3  }
0x34: {  	[smem:$0x3FB9] =	sst s10  }
0x35: {  	s10 =	sld [smem:$0x3FB8];
	_ =	sdelay $0x3  }
0x36: {  	p1 =	seq.s32 s10, $0x1;
	s10 =	sld [smem:$0x3FB9];
	_ =	sdelay $0x3  }
0x37: {  	[smem:$0x3FB9] =	sst s10  }
0x38: {  	s10 =	sld [smem:$0x3FBA]  }
0x39: {  	_ = 	snop;
	(pc) =	sbr.ind lr, $3  }
0x3a: {  	_ = 	snop  }
0x3b: {  	_ = 	snop  }
0x3c: {  	p2 =	seq.s32 s10, $0x1;
	s10 =	sld [smem:$0x3FB9]  }
0x3d: {  	_ =	shalt  }
0x3e: {  	_ =	shalt  }
0x3f: {  	_ =	shalt  }
0x40: {  	_ =	shalt  }
0x41: {  	_ =	shalt  }
0x42: {  	_ =	shalt  }
0x43: {  	_ =	shalt  }
0x44: {  	_ =	shalt  }
0x45: {  	_ =	shalt  }
0x46: {  	_ =	shalt  }
0x47: {  	_ =	shalt  }
0x48: {  	_ =	shalt  }
0x49: {  	_ =	shalt  }
0x4a: {  	_ =	shalt  }
0x4b: {  	_ =	shalt  }
0x4c: {  	_ =	shalt  }
0x4d: {  	_ =	shalt  }
0x4e: {  	_ =	shalt  }
0x4f: {  	_ =	shalt  }
0x50: {  	_ =	shalt  }
0x51: {  	_ =	shalt  }
0x52: {  	_ =	shalt  }
0x53: {  	_ =	shalt  }
0x54: {  	_ =	shalt  }
0x55: {  	_ =	shalt  }
0x56: {  	_ =	shalt  }
0x57: {  	_ =	shalt  }
0x58: {  	_ =	shalt  }
0x59: {  	_ =	shalt  }
0x5a: {  	_ =	shalt  }
0x5b: {  	_ =	shalt  }
0x5c: {  	_ =	shalt  }
0x5d: {  	_ =	shalt  }
0x5e: {  	_ =	shalt  }
0x5f: {  	_ =	shalt  }
0x60: {  	_ =	shalt  }
0x61: {  	_ =	shalt  }
0x62: {  	_ =	shalt  }
0x63: {  	_ =	shalt  }
0x64: {  	_ =	shalt  }
0x65: {  	_ =	shalt  }
0x66: {  	_ =	shalt  }
0x67: {  	_ =	shalt  }
0x68: {  	_ =	shalt  }
0x69: {  	_ =	shalt  }
0x6a: {  	_ =	shalt  }
0x6b: {  	_ =	shalt  }
0x6c: {  	_ =	shalt  }
0x6d: {  	_ =	shalt  }
0x6e: {  	_ =	shalt  }
0x6f: {  	_ =	shalt  }
0x70: {  	_ =	shalt  }
0x71: {  	_ =	shalt  }
0x72: {  	_ =	shalt  }
0x73: {  	_ =	shalt  }
0x74: {  	_ =	shalt  }
0x75: {  	_ =	shalt  }
0x76: {  	_ =	shalt  }
0x77: {  	_ =	shalt  }
0x78: {  	_ =	shalt  }
0x79: {  	_ =	shalt  }
0x7a: {  	_ =	shalt  }
0x7b: {  	_ =	shalt  }
0x7c: {  	_ =	shalt  }
0x7d: {  	_ =	shalt  }
0x7e: {  	_ =	shalt  }
0x7f: {  	_ =	shalt  }
0x80: {  	_ =	shalt  }
0x81: {  	_ =	shalt  }
0x82: {  	_ =	shalt  }
0x83: {  	_ =	shalt  }
0x84: {  	_ =	shalt  }
0x85: {  	_ =	shalt  }
0x86: {  	_ =	shalt  }
0x87: {  	_ =	shalt  }
.Lfunc_end0:
.L_simem_size_0:
called_computation_lowered:
.L_overlay_start_0:
0x88: {  	s2 =	sld [smem:$0x3FD9]  }
0x89: {  	s3 =	sld [smem:$0x3FFE];
	_ =	sdelay $0x1  }
0x8a: {  	s1 =	srdreg.scid  }
0x8b: {  	s0 =	sand.u32 $0x1, s1  }
0x8c: {  	s17 =	sshll.u32 s0, $0xA;
	s2 =	sadd.s32 s3, s2  }
0x8d: {  	s2 =	sadd.s32 s2, s17  }
0x8e: {  	[smem:$0x3FC5] =	sst s2  }
0x8f: {  	_ = 	snop  }
0x90: {  	s2 =	sld [smem:$0x3FC7]  }
0x91: {  	s18 =	sld [smem:$0x3FD0];
	(tm) =	ssettm $0x1  }
0x92: {  	s4 =	sld [smem:$0x3FFB];
	_ =	sdelay $0x3  }
0x93: {  	_ =	strace s4  }
0x94: {  	s4 =	sld [smem:$0x3FFC];
	_ =	sdelay $0x3  }
0x95: {  	_ =	strace s4  }
0x96: {  	s4 =	sld [smem:$0x3FFD];
	_ =	sdelay $0x3  }
0x97: {  	_ =	strace s4  }
0x98: {  	_ =	strace $0x8FFFFFFF  }
0x99: {  	s19 =	sld [smem:$0x3FDB];
	_ =	sdelay $0x1  }
0x9a: {  	s5 =	simm.s32 $_scs_section_size  }
0x9b: {  	s6 =	simm.s32 $_size__tile_overlayer_lowered;
	s7 =	simm.s32 $_tile_overlayer_lowered  }
0x9c: {  	s22 =	simm.s32 $0x1BFF;
	s21 =	sshll.u32 s7, $0x1;
	s4 =	sadd.s32 s5, s19  }
0x9d: {  	s8 =	simm.s32 $0x0;
	s20 =	sshll.u32 s6, $0x1;
	s6 =	sadd.s32 s21, s4  }
0x9e: {  	[timem:s8], [sflag:s22] =	dma.local [hbm:s6], s20  }
0x9f: {  	_ =	swait.ge [sflag:s22], s20  }
0xa0: {  	s5 =	ssub.s32 $0x0, s20;
	[sflag:s22] =	ssyncset.done $0x0  }
0xa1: {  	[sflag:s22] =	ssyncadd.s32 s5;
	_ =	sdelay $0x1  }
0xa2: {  	s23 =	simm.s32 $0x1B8B  }
0xa3: {  	_ =	swait.ge [sflag:s23], $0x1  }
0xa4: {  	[sflag:s23] =	ssyncset.done $0x0  }
0xa5: {  	s25 =	simm.s32 $0x1B8E;
	s24 =	sld [smem:$0x3FFE];
	[sflag:s23] =	ssyncadd.s32 $0xFFFFFFFF  }
0xa6: {  	s26 =	simm.s32 $execute0_lowered;
	[smem:$0x3FD2] =	sst s25  }
0xa7: {  	s6 =	sshll.u32 s26, $0x1;
	_ =	strace $0x80000046;
	[dreg:$0x1] =	wrdreg $0xFFFFFFFF  }
0xa8: {  	s28 =	simm.s32 $_size_execute0_lowered;
	s4 =	sadd.s32 s4, s6;
	[dreg:$0x0] =	wrdreg $0x0  }
0xa9: {  	s6 =	sshll.u32 s28, $0x1;
	[dreg:$0x2] =	wrdreg s4  }
0xaa: {  	[dreg:$0x3] =	wrdreg s6  }
0xab: {  	[dreg:$0x4] =	wrdreg $0xC0  }
0xac: {  	_ =	task [dreg:s8], $0x5FFFF  }
0xad: {  	[dreg:$0x1] =	wrdreg $0xFFFFFFFF  }
0xae: {  	[dreg:$0x0] =	wrdreg $0x60  }
0xaf: {  	[dreg:$0x2] =	wrdreg s24  }
0xb0: {  	[dreg:$0x3] =	wrdreg s18  }
0xb1: {  	[dreg:$0x4] =	wrdreg s2  }
0xb2: {  	[dreg:$0x5] =	wrdreg $0x9  }
0xb3: {  	_ =	task.clear_ibuf [dreg:s8], $0x6FFFF;
	_ =	strace $0x90000046  }
0xb4: {  	s29 =	simm.s32 $0x9;
	_ =	strace $0x80000048  }
0xb5: {  	_ =	swait.ge [sflag:s29], $0x1  }
0xb6: {  	[sflag:s29] =	ssyncadd.s32 $0xFFFFFFFF  }
0xb7: {  	_ =	strace $0x90000048  }
0xb8: {  	_ =	sfence  }
0xb9: {  	s30 =	sld [smem:$0x0];
	_ =	sdelay $0x2  }
0xba: {  	s31 =	sshll.u32 s1, $0xD;
	s1 =	sshrl.u32 s1, $0x2  }
0xbb: {  	s3 =	sand.u32 $0x4000, s31;
	s1 =	sadd.s32 s1, s30  }
0xbc: {  	s0 =	sor.u32 s3, s0;
	s1 =	sshll.u32 s1, $0x11  }
0xbd: {  	s0 =	sor.u32 s1, s0  }
0xbe: {  	s0 =	sadd.s32 $0x8F2B, s0  }
0xbf: {  	[sflag:s0] =	ssyncadd.remote.s32 $0x1  }
0xc0: {  	_ =	sfence.sel $0xFFFF  }
0xc1: {  	[dreg:$0x0] =	wrdreg $0xFFFFFFFF;
	(pc) =	sbr.abs _section_cstart, $3  }
0xc2: {  	[dreg:$0x1] =	wrdreg $0xFFFFFFFF  }
0xc3: {  	_ =	task.clear_ibuf [dreg:s8], $0x2FFFF;
	_ =	strace $0x9FFFFFFF  }
0xc4: {  	(tm) =	ssettm $0x7FFFFFFF  }
0xc5: {  	_ =	shalt  }
tec
execute0_lowered:
.L_overlay_start_1:
0x0: {  	(tag) =	ssettag $0x1  }
0x1: {  	s0 =	rddreg [dreg:$0x0]  }
0x2: {  	s2 =	rddreg [dreg:$0x1]  }
0x3: {  	s3 =	rddreg [dreg:$0x2]  }
0x4: {  	s1 =	srdreg.scid;
	s5 =	stileid.u32;
	s4 =	simm.s32 $0x0  }
0x5: {  	s14 =	simm.s32 $0x3;
	s18 =	simm.s32 $0xA00;
	s19 =	simm.s32 $0xC00  }
0x6: {  	s20 =	simm.s32 $0x80;
	s21 =	simm.s32 $0xCE00;
	s23 =	simm.s32 $0x10E00  }
0x7: {  	s25 =	simm.s32 $0x14E00;
	s28 =	simm.s32 $0x18E00;
	s31 =	simm.s32 $0xE00  }
0x8: {  	s22 =	simm.s32 $0x0;
	s1 =	sand.u32 $0x1, s1;
	[smem:$0x7FF] =	sst s4  }
0x9: {  	s5 =	sshll.u32 s5, $0xA;
	s6 =	sshll.u32 s1, $0x9;
	_ =	strace $0x80000047  }
0xa: {  	s1 =	ssub.s32 $0x2, s1;
	s5 =	sor.u32 s6, s5;
	s6 =	sadd.s32 $0x3000, s0  }
.Ltmp0:
0xb: {  	s8 =	sshrl.u32 s1, $0x1;
	s7 =	sshrl.u32 s5, $0x3;
	(pc) =	sbr.rel .LBB2_1-.Ltmp0, $4  }
0xc: {  	v0 =	vlaneseq.u32;
	s26 =	ssub.s32 s1, s8;
	s1 =	simm.s32 $0x1;
	s7 =	sadd.s32 s0, s7  }
0xd: {  	v1 =	vmul.u32 $0x80, v0;
	s13 =	smax.u32 s26, $0x1;
	s0 =	simm.s32 $0x2;
	s29 =	sadd.s32 $0x2000, s7  }
0xe: {  	v5 =	vor.u32 $0x10, v0;
	v6 =	vor.u32 $0x20, v0;
	v7 =	vor.u32 $0x30, v0;
	s30 =	sadd.s32 $0x800, s7;
	s10 =	sadd.s32 $0x2800, s7;
	[dreg:$0x4] =	wrdreg s29  }
0xf: {  	v2 =	vor.u32 $0x800, v1;
	v3 =	vor.u32 $0x1000, v1;
	v4 =	vor.u32 $0x1800, v1;
	s11 =	sadd.s32 $0x1000, s7;
	s12 =	sadd.s32 $0x1800, s7;
	[dreg:$0x5] =	wrdreg s30  }
.LBB2_7:
0x10: {  	[hbm4b:s6+s20] =	stream.indirect.scatter [tilespmem:s21], [sflag:$0x2], $0x80, s19, s20, $0xb8;
	[tilespmem:$0x1CE00] =	vst v63  }
0x11: {  	s8 =	simm.s32 $0xC80  }
0x12: {  	[hbm4b:s6+s20] =	stream.indirect.scatter [tilespmem:s23], [sflag:$0x2], $0x80, s8, s20, $0xb8;
	[tilespmem:$0x1CE00] =	vst v63  }
0x13: {  	s29 =	simm.s32 $0xD00  }
0x14: {  	[hbm4b:s6+s20] =	stream.indirect.scatter [tilespmem:s25], [sflag:$0x2], $0x80, s29, s20, $0xb8;
	[tilespmem:$0x1CE00] =	vst v63  }
0x15: {  	s30 =	simm.s32 $0xD80  }
0x16: {  	[hbm4b:s6+s20] =	stream.indirect.scatter [tilespmem:s28], [sflag:$0x2], $0x80, s30, s20, $0xb8;
	[tilespmem:$0x1CE00] =	vst v63  }
0x17: {  	_ =	swait.ge [sflag:s0], $0x4000  }
0x18: {  	[sflag:s0] =	ssyncset.done $0x0  }
0x19: {  	[sflag:s0] =	ssyncadd.s32 $0xFFFFC000  }
0x1a: {  	_ =	swait.ge [sflag:s0], $0x4000  }
0x1b: {  	[sflag:s0] =	ssyncset.done $0x0  }
0x1c: {  	s22 =	sadd.s32 $0x1, s22;
	[sflag:s0] =	ssyncadd.s32 $0xFFFFC000  }
0x1d: {  	p0 =	sne.s32 s22, s13;
	_ =	swait.ge [sflag:s0], $0x4000  }
.Ltmp1:
0x1e: {  	[sflag:s0] =	ssyncset.done $0x0;
	(pc) =	sbr.rel @!p0 .LBB2_8-.Ltmp1, $4  }
0x1f: {  	[sflag:s0] =	ssyncadd.s32 $0xFFFFC000  }
0x20: {  	_ =	swait.ge [sflag:s0], $0x4000  }
0x21: {  	[sflag:s0] =	ssyncset.done $0x0  }
0x22: {  	[sflag:s0] =	ssyncadd.s32 $0xFFFFC000  }
.LBB2_1:
0x23: {  	s8 =	rddreg [dreg:$0x4]  }
0x24: {  	[tilespmem:s4], [sflag:$0x3] =	stream.linear.gather [hbm4b:s8+s4], $0x200, $0x38;
	[tilespmem:$0x1CE00] =	vst v63  }
0x25: {  	_ =	swait.ge [sflag:s14], $0x200  }
0x26: {  	[sflag:s14] =	ssyncset.done $0x0  }
0x27: {  	s9 =	simm.s32 $0x280;
	s30 =	rddreg [dreg:$0x5];
	[sflag:s14] =	ssyncadd.s32 $0xFFFFFE00  }
0x28: {  	[tilespmem:s9], [sflag:$0x3] =	stream.linear.gather [hbm4b:s30+s4], $0x200, $0x38;
	[tilespmem:$0x1CE00] =	vst v63  }
0x29: {  	_ =	swait.ge [sflag:s14], $0x200  }
0x2a: {  	[sflag:s14] =	ssyncset.done $0x0  }
0x2b: {  	s9 =	simm.s32 $0x500;
	[sflag:s14] =	ssyncadd.s32 $0xFFFFFE00  }
0x2c: {  	[tilespmem:s9], [sflag:$0x3] =	stream.linear.gather [hbm4b:s10+s4], $0x200, $0x38;
	[tilespmem:$0x1CE00] =	vst v63  }
0x2d: {  	_ =	swait.ge [sflag:s14], $0x200  }
0x2e: {  	[sflag:s14] =	ssyncset.done $0x0  }
0x2f: {  	s15 =	simm.s32 $0x780;
	[sflag:s14] =	ssyncadd.s32 $0xFFFFFE00  }
0x30: {  	[tilespmem:s15], [sflag:$0x3] =	stream.linear.gather [hbm4b:s11+s4], $0x200, $0x38;
	[tilespmem:$0x1CE00] =	vst v63  }
0x31: {  	_ =	swait.ge [sflag:s14], $0x200  }
0x32: {  	[sflag:s14] =	ssyncset.done $0x0  }
0x33: {  	[sflag:s14] =	ssyncadd.s32 $0xFFFFFE00  }
0x34: {  	[tilespmem:s18], [sflag:$0x3] =	stream.linear.gather [hbm4b:s12+s4], $0x200, $0x38;
	[tilespmem:$0x1CE00] =	vst v63  }
0x35: {  	_ =	swait.ge [sflag:s14], $0x200  }
0x36: {  	[sflag:s14] =	ssyncset.done $0x0  }
0x37: {  	[sflag:s14] =	ssyncadd.s32 $0xFFFFFE00  }
0x38: {  	[tilespmem:s19], [sflag:$0x3] =	stream.linear.gather [hbm4b:s7+s4], $0x200, $0x38;
	[tilespmem:$0x1CE00] =	vst v63  }
0x39: {  	_ =	swait.ge [sflag:s14], $0x200  }
0x3a: {  	[sflag:s14] =	ssyncset.done $0x0  }
0x3b: {  	[sflag:s14] =	ssyncadd.s32 $0xFFFFFE00  }
0x3c: {  	[tilespmem:s21], [sflag:$0x2] =	stream.indirect.gather [hbm4b:s2+s20], $0x80, s18, s20, $0xb8;
	[tilespmem:$0x1CE00] =	vst v63  }
0x3d: {  	s16 =	simm.s32 $0xA80  }
0x3e: {  	[tilespmem:s23], [sflag:$0x2] =	stream.indirect.gather [hbm4b:s2+s20], $0x80, s16, s20, $0xb8;
	[tilespmem:$0x1CE00] =	vst v63  }
0x3f: {  	s17 =	simm.s32 $0xB00  }
0x40: {  	[tilespmem:s25], [sflag:$0x2] =	stream.indirect.gather [hbm4b:s2+s20], $0x80, s17, s20, $0xb8;
	[tilespmem:$0x1CE00] =	vst v63  }
0x41: {  	s24 =	simm.s32 $0xB80  }
0x42: {  	[tilespmem:s28], [sflag:$0x2] =	stream.indirect.gather [hbm4b:s2+s20], $0x80, s24, s20, $0xb8;
	[tilespmem:$0x1CE00] =	vst v63  }
0x43: {  	v8 =	vld [tilespmem:$0x0];
	_ =	sdelay $0x4  }
0x44: {  	(v2sf) =	vpush v8, $0x0;
	_ =	sdelay $0xe  }
0x45: {  	s15 =	spop (v2sf)  }
0x46: {  	s15 =	sshll.u32 s15, $0x7  }
0x47: {  	s15 =	sand.u32 $0x1FFFFF80, s15  }
0x48: {  	s26 =	simm.s32 $0x400;
	s29 =	simm.s32 $0x7A1400;
	s15 =	sadd.s32 s3, s15  }
0x49: {  	[tilespmem:s31], [sflag:$0x1] =	stream.strided.gather [hbm4b:s15+s26], $0x2000, s29, s26, $0x38;
	[tilespmem:$0x1CE00] =	vst v63  }
0x4a: {  	v8 =	vld [tilespmem:$0x500];
	_ =	sdelay $0x4  }
0x4b: {  	(v2sf) =	vpush v8, $0x0;
	_ =	sdelay $0xe  }
0x4c: {  	s30 =	spop (v2sf)  }
0x4d: {  	s15 =	ssub.s32 s30, s5  }
0x4e: {  	p0 =	sgt.s32 s15, $0x0;
	s16 =	smov.u32 s15  }
0x4f: {  	s16 =	simm.s32 @!p0 $0x0  }
0x50: {  	p0 =	sgt.u32 s15, $0x1FF;
	s16 =	smin.u32 s16, $0x1FF  }
0x51: {  	v8 =	vld @!p0 [tilespmem:s16+$0x0];
	_ =	sdelay $0x4  }
0x52: {  	(v2sf) =	vpush @!p0 v8, $0x0;
	_ =	sdelay $0xe  }
0x53: {  	s17 =	spop @!p0 (v2sf)  }
0x54: {  	s17 =	sshll.u32 @!p0 s17, $0x7  }
0x55: {  	s24 =	simm.s32 @!p0 $0x400;
	s17 =	sand.u32 @!p0 $0x1FFFFF80, s17  }
0x56: {  	s26 =	simm.s32 @!p0 $0x7A1400;
	s29 =	simm.s32 @!p0 $0x2E00;
	s17 =	sadd.s32 @!p0 s3, s17  }
0x57: {  	[tilespmem:s29], [sflag:$0x1] =	stream.strided.gather @!p0 [hbm4b:s17+s24], $0x2000, s26, s24, $0x38;
	[tilespmem:$0x1CE00] =	vst v63  }
0x58: {  	v8 =	vld [tilespmem:s16+$0x500];
	_ =	sdelay $0x4  }
0x59: {  	(v2sf) =	vpush v8, $0x0;
	_ =	sdelay $0xe  }
0x5a: {  	p0 =	slt.s32 s15, $0x200;
	s15 =	spop (v2sf)  }
0x5b: {  	s15 =	simm.s32 @!p0 $0x4000  }
0x5c: {  	s15 =	ssub.s32 s15, s5  }
0x5d: {  	p0 =	sgt.s32 s15, $0x0;
	s16 =	smov.u32 s15  }
0x5e: {  	s16 =	simm.s32 @!p0 $0x0  }
0x5f: {  	p0 =	sgt.u32 s15, $0x1FF;
	s16 =	smin.u32 s16, $0x1FF  }
0x60: {  	v8 =	vld @!p0 [tilespmem:s16+$0x0];
	_ =	sdelay $0x4  }
0x61: {  	(v2sf) =	vpush @!p0 v8, $0x0;
	_ =	sdelay $0xe  }
0x62: {  	s17 =	spop @!p0 (v2sf)  }
0x63: {  	s17 =	sshll.u32 @!p0 s17, $0x7  }
0x64: {  	s24 =	simm.s32 @!p0 $0x400;
	s17 =	sand.u32 @!p0 $0x1FFFFF80, s17  }
0x65: {  	s26 =	simm.s32 @!p0 $0x7A1400;
	s29 =	simm.s32 @!p0 $0x4E00;
	s17 =	sadd.s32 @!p0 s3, s17  }
0x66: {  	[tilespmem:s29], [sflag:$0x1] =	stream.strided.gather @!p0 [hbm4b:s17+s24], $0x2000, s26, s24, $0x38;
	[tilespmem:$0x1CE00] =	vst v63  }
0x67: {  	v8 =	vld [tilespmem:s16+$0x500];
	_ =	sdelay $0x4  }
0x68: {  	(v2sf) =	vpush v8, $0x0;
	_ =	sdelay $0xe  }
0x69: {  	p0 =	slt.s32 s15, $0x200;
	s15 =	spop (v2sf)  }
0x6a: {  	s15 =	simm.s32 @!p0 $0x4000  }
0x6b: {  	s15 =	ssub.s32 s15, s5  }
0x6c: {  	p0 =	sgt.s32 s15, $0x0;
	s16 =	smov.u32 s15  }
0x6d: {  	s16 =	simm.s32 @!p0 $0x0  }
0x6e: {  	p0 =	sgt.u32 s15, $0x1FF;
	s16 =	smin.u32 s16, $0x1FF  }
0x6f: {  	v8 =	vld @!p0 [tilespmem:s16+$0x0];
	_ =	sdelay $0x4  }
0x70: {  	(v2sf) =	vpush @!p0 v8, $0x0;
	_ =	sdelay $0xe  }
0x71: {  	s17 =	spop @!p0 (v2sf)  }
0x72: {  	s17 =	sshll.u32 @!p0 s17, $0x7  }
0x73: {  	s24 =	simm.s32 @!p0 $0x400;
	s17 =	sand.u32 @!p0 $0x1FFFFF80, s17  }
0x74: {  	s26 =	simm.s32 @!p0 $0x7A1400;
	s29 =	simm.s32 @!p0 $0x6E00;
	s17 =	sadd.s32 @!p0 s3, s17  }
0x75: {  	[tilespmem:s29], [sflag:$0x1] =	stream.strided.gather @!p0 [hbm4b:s17+s24], $0x2000, s26, s24, $0x38;
	[tilespmem:$0x1CE00] =	vst v63  }
0x76: {  	v8 =	vld [tilespmem:s16+$0x500];
	_ =	sdelay $0x4  }
0x77: {  	(v2sf) =	vpush v8, $0x0;
	_ =	sdelay $0xe  }
0x78: {  	p0 =	slt.s32 s15, $0x200;
	s15 =	spop (v2sf)  }
0x79: {  	s15 =	simm.s32 @!p0 $0x4000  }
0x7a: {  	s15 =	ssub.s32 s15, s5  }
0x7b: {  	p0 =	sgt.s32 s15, $0x0;
	s16 =	smov.u32 s15  }
0x7c: {  	s16 =	simm.s32 @!p0 $0x0  }
0x7d: {  	p0 =	sgt.u32 s15, $0x1FF;
	s16 =	smin.u32 s16, $0x1FF  }
0x7e: {  	v8 =	vld @!p0 [tilespmem:s16+$0x0];
	_ =	sdelay $0x4  }
0x7f: {  	(v2sf) =	vpush @!p0 v8, $0x0;
	_ =	sdelay $0xe  }
0x80: {  	s17 =	spop @!p0 (v2sf)  }
0x81: {  	s17 =	sshll.u32 @!p0 s17, $0x7  }
0x82: {  	s24 =	simm.s32 @!p0 $0x400;
	s17 =	sand.u32 @!p0 $0x1FFFFF80, s17  }
0x83: {  	s26 =	simm.s32 @!p0 $0x7A1400;
	s29 =	simm.s32 @!p0 $0x8E00;
	s17 =	sadd.s32 @!p0 s3, s17  }
0x84: {  	[tilespmem:s29], [sflag:$0x1] =	stream.strided.gather @!p0 [hbm4b:s17+s24], $0x2000, s26, s24, $0x38;
	[tilespmem:$0x1CE00] =	vst v63  }
0x85: {  	v8 =	vld [tilespmem:s16+$0x500];
	_ =	sdelay $0x4  }
0x86: {  	(v2sf) =	vpush v8, $0x0;
	_ =	sdelay $0xe  }
0x87: {  	p0 =	slt.s32 s15, $0x200;
	s15 =	spop (v2sf)  }
0x88: {  	s15 =	simm.s32 @!p0 $0x4000  }
0x89: {  	s15 =	ssub.s32 s15, s5  }
0x8a: {  	p0 =	sgt.s32 s15, $0x0;
	s16 =	smov.u32 s15  }
0x8b: {  	s16 =	simm.s32 @!p0 $0x0  }
0x8c: {  	p0 =	sgt.u32 s15, $0x1FF;
	s16 =	smin.u32 s16, $0x1FF  }
0x8d: {  	v8 =	vld @!p0 [tilespmem:s16+$0x0];
	_ =	sdelay $0x4  }
0x8e: {  	(v2sf) =	vpush @!p0 v8, $0x0;
	_ =	sdelay $0xe  }
0x8f: {  	s17 =	spop @!p0 (v2sf)  }
0x90: {  	s17 =	sshll.u32 @!p0 s17, $0x7  }
0x91: {  	s24 =	simm.s32 @!p0 $0x400;
	s17 =	sand.u32 @!p0 $0x1FFFFF80, s17  }
0x92: {  	s26 =	simm.s32 @!p0 $0x7A1400;
	s29 =	simm.s32 @!p0 $0xAE00;
	s17 =	sadd.s32 @!p0 s3, s17  }
0x93: {  	[tilespmem:s29], [sflag:$0x1] =	stream.strided.gather @!p0 [hbm4b:s17+s24], $0x2000, s26, s24, $0x38;
	[tilespmem:$0x1CE00] =	vst v63  }
0x94: {  	v8 =	vld [tilespmem:s16+$0x500];
	_ =	sdelay $0x4  }
0x95: {  	(v2sf) =	vpush v8, $0x0;
	_ =	sdelay $0xe  }
0x96: {  	s26 =	spop (v2sf)  }
0x97: {  	_ =	swait.ge [sflag:s0], $0x4000  }
0x98: {  	[sflag:s0] =	ssyncset.done $0x0  }
0x99: {  	[sflag:s0] =	ssyncadd.s32 $0xFFFFC000  }
0x9a: {  	_ =	swait.ge [sflag:s0], $0x4000  }
0x9b: {  	[sflag:s0] =	ssyncset.done $0x0  }
0x9c: {  	[sflag:s0] =	ssyncadd.s32 $0xFFFFC000  }
0x9d: {  	_ =	swait.ge [sflag:s0], $0x4000  }
.Ltmp2:
0x9e: {  	[sflag:s0] =	ssyncset.done $0x0;
	(pc) =	sbr.rel .LBB2_2-.Ltmp2, $4  }
0x9f: {  	[sflag:s0] =	ssyncadd.s32 $0xFFFFC000  }
0xa0: {  	_ =	swait.ge [sflag:s0], $0x4000  }
0xa1: {  	p0 =	slt.s32 s15, $0x200;
	s24 =	simm.s32 $0x0;
	[sflag:s0] =	ssyncset.done $0x0  }
0xa2: {  	s16 =	simm.s32 $0x0;
	s26 =	simm.s32 @!p0 $0x4000;
	[sflag:s0] =	ssyncadd.s32 $0xFFFFC000  }
.LBB2_5:
0xa3: {  	v8 =	vmul.f32 v13, v12;
	_ =	sdelay $0x1  }
0xa4: {  	[tilespmem:s17+$0x10] =	vst v8  }
.LBB2_6:
0xa5: {  	s8 =	ssub.s32 s26, s5  }
0xa6: {  	p1 =	sgt.s32 s8, $0x0;
	s9 =	smov.u32 s8  }
0xa7: {  	s9 =	simm.s32 @!p1 $0x0  }
0xa8: {  	p1 =	sgt.u32 s8, $0x1FF;
	s9 =	smin.u32 s9, $0x1FF  }
0xa9: {  	v8 =	vld @!p1 [tilespmem:s9+$0x0];
	_ =	sdelay $0x4  }
0xaa: {  	(v2sf) =	vpush @!p1 v8, $0x0;
	_ =	sdelay $0xe  }
0xab: {  	s15 =	sshll.u32 s30, $0xF;
	s16 =	spop @!p1 (v2sf)  }
0xac: {  	s15 =	sshra.s32 s15, $0x2;
	s16 =	sshll.u32 @!p1 s16, $0x7  }
0xad: {  	s15 =	sor.u32 $0xE00, s15;
	s16 =	sand.u32 @!p1 $0x1FFFFF80, s16  }
0xae: {  	s17 =	simm.s32 @!p1 $0x400;
	s26 =	simm.s32 @!p1 $0x7A1400;
	s16 =	sadd.s32 @!p1 s3, s16  }
0xaf: {  	[tilespmem:s15], [sflag:$0x1] =	stream.strided.gather @!p1 [hbm4b:s16+s17], $0x2000, s26, s17, $0x38;
	[tilespmem:$0x1CE00] =	vst v63  }
0xb0: {  	v8 =	vld [tilespmem:s9+$0x500];
	_ =	sdelay $0x4  }
0xb1: {  	(v2sf) =	vpush v8, $0x0;
	_ =	sdelay $0xb  }
.Ltmp3:
0xb2: {  	_ = 	snop;
	(pc) =	sbr.rel @!p0 .LBB2_7-.Ltmp3, $3  }
0xb3: {  	_ =	sdelay $0x1  }
0xb4: {  	p1 =	slt.s32 s8, $0x200;
	s26 =	spop (v2sf)  }
0xb5: {  	s24 =	sadd.s32 $0x1, s24;
	s16 =	smov.u32 s29;
	s26 =	simm.s32 @!p1 $0x4000  }
.LBB2_2:
0xb6: {  	_ =	swait.ge [sflag:s1], $0x2000  }
0xb7: {  	p0 =	sgt.s32 s16, $0x0;
	s15 =	smov.u32 s16;
	[sflag:s1] =	ssyncset.done $0x0  }
0xb8: {  	s15 =	simm.s32 @!p0 $0x0;
	[sflag:s1] =	ssyncadd.s32 $0xFFFFE000  }
0xb9: {  	v8 =	vld [tilespmem:s15+$0x500];
	_ =	sdelay $0x4  }
0xba: {  	(v2sf) =	vpush v8, $0x0;
	_ =	sdelay $0xe  }
0xbb: {  	s9 =	spop (v2sf)  }
0xbc: {  	s8 =	smulhi.u32 $0x2AAAAAAB, s24;
	s17 =	sshra.s32 s24, $0x1F;
	s29 =	ssub.s32 s9, s5  }
0xbd: {  	s17 =	smul.u32 $0x2AAAAAAB, s17;
	p0 =	slt.s32 s29, $0x200  }
0xbe: {  	s29 =	simm.s32 @!p0 $0x200  }
0xbf: {  	s15 =	sadd.s32 s17, s8;
	p1 =	sge.s32 s16, s29  }
.Ltmp4:
0xc0: {  	s30 =	sshrl.u32 s15, $0x1F;
	(pc) =	sbr.rel @p1 .LBB2_6-.Ltmp4, $3  }
0xc1: {  	s15 =	sadd.s32 s30, s15  }
0xc2: {  	s15 =	smul.u32 $0x6, s15;
	_ =	sdelay $0x1  }
0xc3: {  	s30 =	ssub.s32 s24, s15  }
0xc4: {  	s17 =	sshll.u32 s16, $0x9;
	p1 =	sgt.s32 s16, $0x0  }
0xc5: {  	s15 =	sadd.s32 $0x1, s16;
	s8 =	sshll.u32 s16, $0x7;
	s16 =	simm.s32 @!p1 $0x0  }
0xc6: {  	s16 =	smin.u32 s16, $0x1FF  }
0xc7: {  	v12 =	vld.msk [tilespmem:s16+$0x780 ss:$0x0], $0xffff  }
0xc8: {  	v9 =	vld.msk [tilespmem:s16+$0x280 ss:$0x0], $0xffff;
	_ =	sdelay $0x3  }
0xc9: {  	s9 =	sshll.u32 s30, $0xD  }
0xca: {  	v8 =	vor.u32 s9, v1;
	v10 =	vadd.s32 v0, v12;
	v13 =	vand.u32 $0xFFFFFF80, v9  }
0xcb: {  	v14 =	vand.u32 $0x7F, v9;
	v11 =	vand.u32 $0xFFFFFF80, v10;
	v9 =	vadd.s32 v13, v8  }
0xcc: {  	v10 =	vand.u32 $0x7F, v10;
	v11 =	vadd.s32 s8, v11;
	v9 =	vor.u32 v14, v9  }
0xcd: {  	v10 =	vor.u32 v10, v11;
	_ =	sdelay $0x3  }
0xce: {  	v11 =	vld.idx.msk [tilespmem:v9+s31+$0x0], $0xffff  }
0xcf: {  	v10 =	vld.idx.msk [tilespmem:v10+s21+$0x0], $0xffff  }
0xd0: {  	v15 =	vadd.s32 v5, v12;
	v9 =	vor.u32 s9, v2  }
0xd1: {  	v17 =	vand.u32 $0xFFFFFF80, v15;
	v16 =	vadd.s32 v13, v9  }
0xd2: {  	v15 =	vand.u32 $0x7F, v15;
	v17 =	vadd.s32 s8, v17;
	v16 =	vor.u32 v14, v16  }
0xd3: {  	v15 =	vor.u32 v15, v17  }
0xd4: {  	s17 =	sshra.s32 s17, $0x2;
	v10 =	vmul.f32 v10, v11  }
0xd5: {  	s17 =	sadd.s32 $0xCE20, s17  }
0xd6: {  	[tilespmem:s17+$0xFFFFFFE0] =	vst v10  }
0xd7: {  	v11 =	vld.idx.msk [tilespmem:v16+s31+$0x0], $0xffff  }
0xd8: {  	v15 =	vld.idx.msk [tilespmem:v15+s21+$0x0], $0xffff  }
0xd9: {  	v61 =	vadd.s32 v6, v12;
	v10 =	vor.u32 s9, v3  }
0xda: {  	v18 =	vand.u32 $0xFFFFFF80, v61;
	v62 =	vadd.s32 v13, v10  }
0xdb: {  	v18 =	vadd.s32 s8, v18;
	v16 =	vand.u32 $0x7F, v61;
	v17 =	vor.u32 v14, v62  }
0xdc: {  	v16 =	vor.u32 v16, v18  }
0xdd: {  	v11 =	vmul.f32 v15, v11;
	_ =	sdelay $0x1  }
0xde: {  	[tilespmem:s17+$0xFFFFFFF0] =	vst v11  }
0xdf: {  	v15 =	vld.idx.msk [tilespmem:v17+s31+$0x0], $0xffff  }
0xe0: {  	v16 =	vld.idx.msk [tilespmem:v16+s21+$0x0], $0xffff  }
0xe1: {  	v12 =	vadd.s32 v7, v12;
	v11 =	vor.u32 s9, v4  }
0xe2: {  	v63 =	vand.u32 $0xFFFFFF80, v12;
	v13 =	vadd.s32 v13, v11  }
0xe3: {  	v12 =	vand.u32 $0x7F, v12;
	v13 =	vor.u32 v14, v13;
	v14 =	vadd.s32 s8, v63  }
0xe4: {  	v14 =	vor.u32 v12, v14  }
0xe5: {  	v12 =	vmul.f32 v16, v15;
	_ =	sdelay $0x1  }
0xe6: {  	[tilespmem:s17+$0x0] =	vst v12  }
0xe7: {  	p1 =	sne.s32 s29, s15;
	v12 =	vld.idx.msk [tilespmem:v13+s31+$0x0], $0xffff  }
.Ltmp5:
0xe8: {  	v13 =	vld.idx.msk [tilespmem:v14+s21+$0x0], $0xffff;
	(pc) =	sbr.rel @!p1 .LBB2_5-.Ltmp5, $2  }
0xe9: {  	_ =	sdelay $0x2  }
0xea: {  	s16 =	smov.u32 s17  }
.LBB2_4:
0xeb: {  	s16 =	sadd.s32 $0x80, s16;
	s9 =	smov.u32 s15;
	s15 =	sadd.s32 $0x1, s15  }
0xec: {  	p1 =	sne.s32 s29, s15  }
0xed: {  	v12 =	vmul.f32 v13, v12;
	p2 =	sgt.s32 s9, $0x0;
	s8 =	smov.u32 s9  }
0xee: {  	s8 =	simm.s32 @!p2 $0x0  }
0xef: {  	s8 =	smin.u32 s8, $0x1FF;
	[tilespmem:s17+$0x10] =	vst v12;
	s17 =	smov.u32 s16  }
0xf0: {  	v12 =	vld.msk [tilespmem:s8+$0x780 ss:$0x0], $0xffff  }
0xf1: {  	v13 =	vld.msk [tilespmem:s8+$0x280 ss:$0x0], $0xffff;
	_ =	sdelay $0x4  }
0xf2: {  	v14 =	vadd.s32 v0, v12;
	v15 =	vadd.s32 v5, v12;
	v16 =	vadd.s32 v6, v12  }
0xf3: {  	s8 =	sshll.u32 s9, $0x7;
	v17 =	vand.u32 $0xFFFFFF80, v13;
	v13 =	vand.u32 $0x7F, v13;
	v18 =	vand.u32 $0xFFFFFF80, v14  }
0xf4: {  	v14 =	vand.u32 $0x7F, v14;
	v19 =	vadd.s32 v17, v8;
	v18 =	vadd.s32 s8, v18  }
0xf5: {  	v19 =	vor.u32 v13, v19;
	v14 =	vor.u32 v14, v18;
	v18 =	vadd.s32 v17, v9  }
0xf6: {  	v20 =	vand.u32 $0xFFFFFF80, v15;
	v21 =	vadd.s32 v17, v10;
	v18 =	vor.u32 v13, v18  }
0xf7: {  	v22 =	vand.u32 $0xFFFFFF80, v16;
	v20 =	vadd.s32 s8, v20;
	v21 =	vor.u32 v13, v21  }
0xf8: {  	v12 =	vadd.s32 v7, v12;
	v22 =	vadd.s32 s8, v22;
	v17 =	vadd.s32 v17, v11  }
0xf9: {  	v13 =	vor.u32 v13, v17;
	v17 =	vand.u32 $0xFFFFFF80, v12  }
0xfa: {  	v17 =	vadd.s32 s8, v17;
	v14 =	vld.idx.msk [tilespmem:v14+s21+$0x0], $0xffff  }
0xfb: {  	v19 =	vld.idx.msk [tilespmem:v19+s31+$0x0], $0xffff;
	_ =	sdelay $0x3  }
0xfc: {  	v15 =	vand.u32 $0x7F, v15  }
0xfd: {  	v15 =	vor.u32 v15, v20  }
0xfe: {  	v14 =	vmul.f32 v14, v19;
	_ =	sdelay $0x1  }
0xff: {  	[tilespmem:s16+$0xFFFFFFE0] =	vst v14  }
0x100: {  	v14 =	vld.idx.msk [tilespmem:v18+s31+$0x0], $0xffff  }
0x101: {  	v15 =	vld.idx.msk [tilespmem:v15+s21+$0x0], $0xffff;
	_ =	sdelay $0x3  }
0x102: {  	v16 =	vand.u32 $0x7F, v16  }
0x103: {  	v16 =	vor.u32 v16, v22  }
0x104: {  	v14 =	vmul.f32 v15, v14;
	_ =	sdelay $0x1  }
0x105: {  	[tilespmem:s16+$0xFFFFFFF0] =	vst v14  }
0x106: {  	v14 =	vld.idx.msk [tilespmem:v21+s31+$0x0], $0xffff  }
0x107: {  	v15 =	vld.idx.msk [tilespmem:v16+s21+$0x0], $0xffff;
	_ =	sdelay $0x2  }
0x108: {  	v12 =	vand.u32 $0x7F, v12  }
0x109: {  	v16 =	vor.u32 v12, v17;
	_ =	sdelay $0x1  }
.Ltmp6:
0x10a: {  	v12 =	vmul.f32 v15, v14;
	(pc) =	sbr.rel @p1 .LBB2_4-.Ltmp6, $4  }
0x10b: {  	_ = 	snop  }
0x10c: {  	[tilespmem:s16+$0x0] =	vst v12  }
0x10d: {  	v12 =	vld.idx.msk [tilespmem:v13+s31+$0x0], $0xffff  }
0x10e: {  	v13 =	vld.idx.msk [tilespmem:v16+s21+$0x0], $0xffff  }
.Ltmp7:
0x10f: {  	_ = 	snop;
	(pc) =	sbr.rel .LBB2_5-.Ltmp7, $1  }
0x110: {  	_ =	sdelay $0x3  }
.LBB2_8:
0x111: {  	_ =	sfence.sel $0x180000  }
0x112: {  	[bflag:$0x0] =	sbarrier.arrive $0xFFFF  }
0x113: {  	_ =	strace $0x90000047  }
0x114: {  	s0 =	stileid.u32;
	[bflag:$0x2] =	sbarrier.arrive $0xFFFF  }
0x115: {  	p0 =	sne.s32 s0, $0x0;
	s0 =	rddreg [dreg:$0x3]  }
0x116: {  	s0 =	sadd.s32 @!p0 $0x100000, s0  }
0x117: {  	[sflag:s0] =	ssyncadd.tile.s32 @!p0 $0x1;
	_ =	shalt  }
.Lfunc_end2:
_tile_overlayer_lowered:
.L_overlay_start_2:
0x118: {  	(tag) =	ssettag $0x2  }
0x119: {  	s0 =	rddreg [dreg:$0x0];
	s2 =	stileid.u32  }
0x11a: {  	s1 =	rddreg [dreg:$0x1];
	p0 =	sne.s32 s2, $0x0  }
0x11b: {  	s3 =	rddreg [dreg:$0x2];
	[bflag:$0x3] =	sbarrier.arrive $0xFFFF;
	s2 =	simm.s32 @!p0 $0x1C03  }
0x11c: {  	[timem:s3], [sflag:s2] =	dma.local @!p0 [hbm:s0], s1  }
0x11d: {  	s0 =	simm.s32 @!p0 $0x3  }
0x11e: {  	_ =	swait.ge @!p0 [sflag:s0], s1  }
0x11f: {  	s1 =	ssub.s32 @!p0 $0x0, s1;
	[sflag:s0] =	ssyncset.done @!p0 $0x0  }
0x120: {  	[sflag:s0] =	ssyncadd.s32 @!p0 s1  }
0x121: {  	[bflag:$0x3] =	sbarrier.arrive $0xFFFF  }
0x122: {  	_ =	shalt  }

</sc_bundles>
